<compile_context>
chip_gen: v7x
topology: tpu7x:2x2x1
jax: 0.10.2.dev20260603
libtpu: 0.0.44.dev20260713+nightly
codegen_flags: <defaults>
</compile_context>

<pallas_src>
import functools

import jax
import jax.numpy as jnp
from jax import lax
from jax.experimental import pallas as pl
from jax.experimental.pallas import tpu as pltpu
from jax.experimental.pallas import tpu_sc as plsc

K = 7
NC = 2
NS = 16
NW = NC * NS
LANES = 16


def _dist_body(ye_ref, xe_ref, yesq_ref, xesq_ref, out_ref):
    ye = ye_ref[0]
    xe = xe_ref[0]
    cross = lax.dot_general(ye, xe, (((1,), (1,)), ((), ())))
    out_ref[0] = yesq_ref[0] + xesq_ref[0] - 2.0 * cross


def _dist(ye, xe, ye_sq, xe_sq):
    b, m, e = ye.shape
    n = xe.shape[1]
    tm = 512
    grid = (b, m // tm)
    return pl.pallas_call(
        _dist_body,
        grid=grid,
        in_specs=[
            pl.BlockSpec((1, tm, e), lambda bi, i: (bi, i, 0)),
            pl.BlockSpec((1, n, e), lambda bi, i: (bi, 0, 0)),
            pl.BlockSpec((1, tm, 1), lambda bi, i: (bi, i, 0)),
            pl.BlockSpec((1, 1, n), lambda bi, i: (bi, 0, 0)),
        ],
        out_specs=pl.BlockSpec((1, tm, n), lambda bi, i: (bi, i, 0)),
        out_shape=jax.ShapeDtypeStruct((b, m, n), jnp.float32),
    )(ye, xe, ye_sq, xe_sq)


def _sc_mesh():
    return plsc.VectorSubcoreMesh(core_axis_name="c", subcore_axis_name="s",
                                  num_cores=NC, num_subcores=NS)


def _make_xgather_kernel(bm, f, chunk):
    rpw = bm // NW
    nch = rpw // chunk

    @functools.partial(
        pl.kernel,
        out_type=jax.ShapeDtypeStruct((bm * LANES, f), jnp.float32),
        mesh=_sc_mesh(),
        compiler_params=pltpu.CompilerParams(use_tc_tiling_on_sc=False),
        scratch_types=[
            pltpu.VMEM((chunk, LANES), jnp.int32),
            pltpu.VMEM((chunk * LANES, f), jnp.float32),
            pltpu.SemaphoreType.DMA,
        ],
    )
    def body(x_h, ig_h, xg_h, gv, xgv, sem_x):
        wid = lax.axis_index("s") * NC + lax.axis_index("c")
        row0 = wid * rpw

        def chunk_body(ci, carry):
            base = row0 + ci * chunk
            pltpu.sync_copy(ig_h.at[pl.ds(base, chunk)], gv)
            descs = []
            for t in range(chunk):
                descs.append(pltpu.async_copy(
                    x_h.at[gv[t]], xgv.at[pl.ds(t * LANES, LANES)], sem_x))
            for d in descs:
                d.wait()
            pltpu.sync_copy(xgv, xg_h.at[pl.ds(base * LANES, chunk * LANES)])
            return carry

        lax.fori_loop(0, nch, chunk_body, 0)

    return body


def _make_dgather_kernel(bm, n, chunk):
    rpw = bm // NW
    nch = rpw // chunk

    @functools.partial(
        pl.kernel,
        out_type=jax.ShapeDtypeStruct((bm * LANES, LANES), jnp.float32),
        mesh=_sc_mesh(),
        compiler_params=pltpu.CompilerParams(use_tc_tiling_on_sc=False),
        scratch_types=[
            pltpu.VMEM((chunk, LANES), jnp.int32),
            pltpu.VMEM((chunk * LANES, LANES), jnp.float32),
            pltpu.SemaphoreType.DMA,
        ],
    )
    def body(d_h, i_h, dg_h, iv, dgv, sem_d):
        wid = lax.axis_index("s") * NC + lax.axis_index("c")
        row0 = wid * rpw

        def chunk_body(ci, carry):
            base = row0 + ci * chunk
            pltpu.sync_copy(i_h.at[pl.ds(base, chunk)], iv)
            descs = []
            for t in range(chunk):
                flat = iv[t] + (base + t) * n
                dvec = lax.shift_right_logical(flat, 4)
                descs.append(pltpu.async_copy(
                    d_h.at[dvec], dgv.at[pl.ds(t * LANES, LANES)], sem_d))
            for d in descs:
                d.wait()
            pltpu.sync_copy(dgv, dg_h.at[pl.ds(base * LANES, chunk * LANES)])
            return carry

        lax.fori_loop(0, nch, chunk_body, 0)

    return body


def _recurrence_body(l_ref, *w_refs):
    l = l_ref[...]
    for r in range(K):
        mx = jnp.max(l, axis=0, keepdims=True)
        lm = l - mx
        u = jnp.exp(lm)
        s = jnp.sum(u, axis=0, keepdims=True)
        wl = lm - jnp.log(s)
        w_refs[r][...] = jnp.exp(wl)
        pen = jnp.log((s - u) / s)
        l = l + pen


def _recurrence(logits_t):
    o, bm = logits_t.shape
    br = 1024
    grid = (bm // br,)
    spec = pl.BlockSpec((o, br), lambda i: (0, i))
    return pl.pallas_call(
        _recurrence_body,
        grid=grid,
        in_specs=[spec],
        out_specs=[spec] * K,
        out_shape=[jax.ShapeDtypeStruct((o, bm), jnp.float32)] * K,
    )(logits_t)


def _agg_body(xg_ref, *w_and_z_refs):
    w_refs = w_and_z_refs[:K]
    z_refs = w_and_z_refs[K:]
    r = w_refs[0].shape[0]
    f = xg_ref.shape[1]
    xg = xg_ref[...].reshape(r, LANES, f)
    for k in range(K):
        w = w_refs[k][...]
        z_refs[k][...] = jnp.sum(xg * w[:, :, None], axis=1)


def _agg(xg, ws):
    bm = ws[0].shape[0]
    f = xg.shape[1]
    br = 128
    grid = (bm // br,)
    outs = pl.pallas_call(
        _agg_body,
        grid=grid,
        in_specs=[pl.BlockSpec((br * LANES, f), lambda i: (i, 0))]
                 + [pl.BlockSpec((br, LANES), lambda i: (i, 0))] * K,
        out_specs=[pl.BlockSpec((br, f), lambda i: (i, 0))] * K,
        out_shape=[jax.ShapeDtypeStruct((bm, f), jnp.float32)] * K,
    )(xg, *ws)
    return jnp.stack(outs, axis=2)


def kernel(x, xe, ye, I, log_temp_param):
    b, n, f = x.shape
    e = xe.shape[2]
    m = ye.shape[1]
    o = I.shape[2]
    bm = b * m

    x2 = x.reshape(b * n, f)
    I2 = I.reshape(bm, o)
    Ig = (I + (jnp.arange(b, dtype=jnp.int32) * n)[:, None, None]).reshape(bm, o)

    ye_sq = jnp.sum(ye ** 2, axis=2, keepdims=True)
    xe_sq = jnp.sum(xe ** 2, axis=2)[:, None, :]
    xg = _make_xgather_kernel(bm, f, chunk=16)(x2, Ig)
    d_full = _dist(ye, xe, ye_sq, xe_sq)
    d_blk = d_full.reshape(bm * n // LANES, LANES)
    dg16 = _make_dgather_kernel(bm, n, chunk=16)(d_blk, I2)

    sel = (I2 & (LANES - 1)).reshape(bm, o, 1)
    onehot = (lax.broadcasted_iota(jnp.int32, (1, 1, LANES), 2) == sel)
    dg = jnp.sum(dg16.reshape(bm, o, LANES) * onehot.astype(jnp.float32),
                 axis=2)
    temperature = jnp.exp(log_temp_param.reshape(1, 1, 1) + 0.0)
    logits = -dg / temperature[0, 0, 0]

    wk = _recurrence(logits.T)
    ws = [wk[k].T for k in range(K)]
    z2 = _agg(xg, ws)
    return z2.reshape(b, m, f, K)

# --- scband reference (transcript-rebuilt; emitter-appended) ---
"""Pipeline reference for scband-n3-aggregation-base-34265249088171 (READ-ONLY COPY).

The authoritative reference and input builder live on the scoring server;
editing this copy changes nothing except your own understanding.
"""

import jax, jax.numpy as jnp
import numpy as np

K = 7
LOG_TEMP_BIAS = 0.0  # np.log(1)


def log1mexp(x, expm1_guard=1e-07):
    # faithful port of torch log1mexp with straight-through guard on the
    # gradient of the x >= log(0.5) branch
    t = x < np.log(0.5)
    x1 = jnp.minimum(x, np.log(0.5))
    y1 = jnp.log1p(-jnp.exp(x1))
    x2 = jnp.maximum(x, np.log(0.5))
    expxm1 = jnp.expm1(x2)
    log1mexp_fw = jnp.log(-expxm1)
    log1mexp_bw = jnp.log(-expxm1 + expm1_guard)
    y2 = jax.lax.stop_gradient(log1mexp_fw) + (log1mexp_bw - jax.lax.stop_gradient(log1mexp_bw))
    return jnp.where(t, y1, y2)


def setup_inputs(seed: int = 0) -> dict:
    key = jax.random.key(seed)
    k1, k2, k3, k4 = jax.random.split(key, 4)
    b, n, m, o, f, e = 4, 2048, 2048, 16, 128, 64
    x = jax.random.normal(k1, (b, n, f), dtype=jnp.float32)
    xe = jax.random.normal(k2, (b, n, e), dtype=jnp.float32)
    ye = jax.random.normal(k3, (b, m, e), dtype=jnp.float32)
    I = jax.random.randint(k4, (b, m, o), 0, n, dtype=jnp.int32)
    log_temp_param = jnp.zeros((1,), dtype=jnp.float32)  # nnn.log_temp parameter
    return {"x": x, "xe": xe, "ye": ye, "I": I, "log_temp_param": log_temp_param}


def reference(x, xe, ye, I, log_temp_param):
    b, n, f = x.shape
    m, e = ye.shape[1], ye.shape[2]
    o = I.shape[2]
    # compute_distances, train=True path:
    # D_full = euclidean_distance(ye, xe^T) -> squared L2 [b, m, n], then gather at I
    ye_sq = jnp.sum(ye ** 2, axis=2, keepdims=True)          # [b, m, 1]
    xe_sq = jnp.sum(xe ** 2, axis=2)[:, None, :]             # [b, 1, n]
    cross = jnp.einsum('bme,bne->bmn', ye, xe)               # [b, m, n]
    D_full = ye_sq + xe_sq - 2.0 * cross
    D = jnp.take_along_axis(D_full, I, axis=2)               # [b, m, o]
    D = -D
    # NeuralNearestNeighbors (training branch, internal temp, no bn)
    log_temp = log_temp_param.reshape(1, 1, 1) + LOG_TEMP_BIAS
    temperature = jnp.exp(log_temp)
    D = D / temperature[0, 0, 0]
    logits = D.reshape(b * m, o)
    samples_arr = []
    for r in range(K):
        weights = jax.nn.log_softmax(logits, axis=1)
        samples_arr.append(jnp.exp(weights).reshape(b, m, o))
        logits = logits + log1mexp(weights)
    W = jnp.stack(samples_arr, axis=3)                       # [b, m, o, K]
    # aggregate_output: z = indexed_matmul_2(x, W, I) -> einsum over gathered x
    idx = jnp.broadcast_to(I.reshape(b, m * o, 1), (b, m * o, f))
    xg = jnp.take_along_axis(x, idx, axis=1).reshape(b, m, o, f)
    z = jnp.einsum('bmof,bmok->bmfk', xg, W)                 # [b, m, f, K]
    return z

if __name__ == "__main__":
    import jax
    _d = setup_inputs()
    print(jax.jit(kernel)(*tuple(_d.values())))

</pallas_src>

<mosaic_0001>
#map = affine_map<(d0, d1) -> (0, 0)>
module attributes {stable_mosaic.version = 14 : i64} {
  func.func @body(%arg0: i32, %arg1: i32, %arg2: memref<8192x128xf32, #tpu.memory_space<hbm>>, %arg3: memref<8192x16xi32, #tpu.memory_space<hbm>>, %arg4: memref<131072x128xf32, #tpu.memory_space<hbm>>, %arg5: memref<16x16xi32, #tpu.memory_space<vmem>>, %arg6: memref<256x128xf32, #tpu.memory_space<vmem>>, %arg7: memref<!tpu.dma_semaphore, #tpu.memory_space<semaphore_mem>>) attributes {dimension_semantics = [#tpu.dimension_semantics<core_parallel>, #tpu.dimension_semantics<subcore_parallel>], iteration_bounds = array<i64: 2, 16>, scalar_prefetch = 0 : i64, scratch_operands = 3 : i64, tpu.core_type = #tpu.core_type<sc_vector_subcore>, window_params = [{transform_indices = #map}, {transform_indices = #map}, {transform_indices = #map}]} {
    %mul3A = arith.constant 2 : i32
    %mul3A_0 = arith.muli %arg1, %mul3A : i32
    %add3A = arith.addi %mul3A_0, %arg0 : i32
    %mul3A_1 = arith.constant 256 : i32
    %mul3A_2 = arith.muli %add3A, %mul3A_1 : i32
    %scan3A = arith.constant 0 : i32
    %scan3A_3 = arith.constant 0 : i32
    %scan3A_4 = arith.constant 16 : i32
    %scan3A_5 = arith.addi %scan3A_3, %scan3A_4 : i32
    %scan3A_6 = arith.constant 1 : i32
    scf.for %scan3A_8 = %scan3A_3 to %scan3A_5 step %scan3A_6  : i32 {
      %mul3A_9 = arith.constant 16 : i32
      %mul3A_10 = arith.muli %scan3A_8, %mul3A_9 : i32
      %add3A_11 = arith.addi %mul3A_2, %mul3A_10 : i32
      "tpu.region"() ({
        %run_scoped3A = tpu.sem_alloc : memref<!tpu.dma_semaphore, #tpu.memory_space<semaphore_mem>>
        %dma_start3A_283 = arith.constant 0 : i32
        %dma_start3A_284 = tpu.memref_slice %arg3[%add3A_11, %dma_start3A_283] : memref<8192x16xi32, #tpu.memory_space<hbm>> -> memref<16x16xi32, #tpu.memory_space<hbm>>
        %dma_start3A_285 = arith.constant 0 : i32
        %dma_start3A_286 = tpu.memref_slice %arg3[%add3A_11, %dma_start3A_285] : memref<8192x16xi32, #tpu.memory_space<hbm>> -> memref<16x16xi32, #tpu.memory_space<hbm>>
        tpu.enqueue_dma source(%dma_start3A_286 : memref<16x16xi32, #tpu.memory_space<hbm>>) target(%arg5 : memref<16x16xi32, #tpu.memory_space<vmem>>) target_semaphore(%run_scoped3A : memref<!tpu.dma_semaphore, #tpu.memory_space<semaphore_mem>>)
        %dma_wait3A_287 = arith.constant 0 : i32
        %dma_wait3A_288 = tpu.memref_slice %arg3[%add3A_11, %dma_wait3A_287] : memref<8192x16xi32, #tpu.memory_space<hbm>> -> memref<16x16xi32, #tpu.memory_space<hbm>>
        %dma_wait3A_289 = arith.constant 0 : i32
        %dma_wait3A_290 = tpu.memref_slice %arg3[%add3A_11, %dma_wait3A_289] : memref<8192x16xi32, #tpu.memory_space<hbm>> -> memref<16x16xi32, #tpu.memory_space<hbm>>
        tpu.wait_dma2 semaphore(%run_scoped3A : memref<!tpu.dma_semaphore, #tpu.memory_space<semaphore_mem>>) src(%dma_wait3A_290 : memref<16x16xi32, #tpu.memory_space<hbm>>) dst(%arg5 : memref<16x16xi32, #tpu.memory_space<vmem>>)
        tpu.yield
      }) : () -> ()
      %get3A = arith.constant 0 : i32
      %get3A_12 = arith.index_cast %get3A : i32 to index
      %get3A_13 = arith.constant 0 : index
      %get3A_14 = tpu.vector_load %arg5[%get3A_12, %get3A_13] {strides = array<i32>} : memref<16x16xi32, #tpu.memory_space<vmem>>, vector<1x16xi32>,
      %get3A_15 = vector.shape_cast %get3A_14 : vector<1x16xi32> to vector<16xi32>
      %dma_start3A = arith.constant 0 : i32
      %dma_start3A_16 = arith.constant 0 : i32
      %dma_start3A_17 = tpu.memref_slice %arg6[%dma_start3A, %dma_start3A_16] : memref<256x128xf32, #tpu.memory_space<vmem>> -> memref<16x128xf32, #tpu.memory_space<vmem>>
      %dma_start3A_18 = arith.constant 0 : i32
      %dma_start3A_19 = arith.constant 0 : i32
      %dma_start3A_20 = tpu.memref_slice %arg2[%dma_start3A_18, %dma_start3A_19] : memref<8192x128xf32, #tpu.memory_space<hbm>> -> memref<8192x128xf32, #tpu.memory_space<hbm>>
      tpu.enqueue_indirect_dma source(%dma_start3A_20 : memref<8192x128xf32, #tpu.memory_space<hbm>>) target(%dma_start3A_17 : memref<16x128xf32, #tpu.memory_space<vmem>>) offsets(%get3A_15 : vector<16xi32>) semaphore(%arg7 : memref<!tpu.dma_semaphore, #tpu.memory_space<semaphore_mem>>)
      %get3A_21 = arith.constant 1 : i32
      %get3A_22 = arith.index_cast %get3A_21 : i32 to index
      %get3A_23 = arith.constant 0 : index
      %get3A_24 = tpu.vector_load %arg5[%get3A_22, %get3A_23] {strides = array<i32>} : memref<16x16xi32, #tpu.memory_space<vmem>>, vector<1x16xi32>,
      %get3A_25 = vector.shape_cast %get3A_24 : vector<1x16xi32> to vector<16xi32>
      %dma_start3A_26 = arith.constant 16 : i32
      %dma_start3A_27 = arith.constant 0 : i32
      %dma_start3A_28 = tpu.memref_slice %arg6[%dma_start3A_26, %dma_start3A_27] : memref<256x128xf32, #tpu.memory_space<vmem>> -> memref<16x128xf32, #tpu.memory_space<vmem>>
      %dma_start3A_29 = arith.constant 0 : i32
      %dma_start3A_30 = arith.constant 0 : i32
      %dma_start3A_31 = tpu.memref_slice %arg2[%dma_start3A_29, %dma_start3A_30] : memref<8192x128xf32, #tpu.memory_space<hbm>> -> memref<8192x128xf32, #tpu.memory_space<hbm>>
      tpu.enqueue_indirect_dma source(%dma_start3A_31 : memref<8192x128xf32, #tpu.memory_space<hbm>>) target(%dma_start3A_28 : memref<16x128xf32, #tpu.memory_space<vmem>>) offsets(%get3A_25 : vector<16xi32>) semaphore(%arg7 : memref<!tpu.dma_semaphore, #tpu.memory_space<semaphore_mem>>)
      %get3A_32 = arith.constant 2 : i32
      %get3A_33 = arith.index_cast %get3A_32 : i32 to index
      %get3A_34 = arith.constant 0 : index
      %get3A_35 = tpu.vector_load %arg5[%get3A_33, %get3A_34] {strides = array<i32>} : memref<16x16xi32, #tpu.memory_space<vmem>>, vector<1x16xi32>,
      %get3A_36 = vector.shape_cast %get3A_35 : vector<1x16xi32> to vector<16xi32>
      %dma_start3A_37 = arith.constant 32 : i32
      %dma_start3A_38 = arith.constant 0 : i32
      %dma_start3A_39 = tpu.memref_slice %arg6[%dma_start3A_37, %dma_start3A_38] : memref<256x128xf32, #tpu.memory_space<vmem>> -> memref<16x128xf32, #tpu.memory_space<vmem>>
      %dma_start3A_40 = arith.constant 0 : i32
      %dma_start3A_41 = arith.constant 0 : i32
      %dma_start3A_42 = tpu.memref_slice %arg2[%dma_start3A_40, %dma_start3A_41] : memref<8192x128xf32, #tpu.memory_space<hbm>> -> memref<8192x128xf32, #tpu.memory_space<hbm>>
      tpu.enqueue_indirect_dma source(%dma_start3A_42 : memref<8192x128xf32, #tpu.memory_space<hbm>>) target(%dma_start3A_39 : memref<16x128xf32, #tpu.memory_space<vmem>>) offsets(%get3A_36 : vector<16xi32>) semaphore(%arg7 : memref<!tpu.dma_semaphore, #tpu.memory_space<semaphore_mem>>)
      %get3A_43 = arith.constant 3 : i32
      %get3A_44 = arith.index_cast %get3A_43 : i32 to index
      %get3A_45 = arith.constant 0 : index
      %get3A_46 = tpu.vector_load %arg5[%get3A_44, %get3A_45] {strides = array<i32>} : memref<16x16xi32, #tpu.memory_space<vmem>>, vector<1x16xi32>,
      %get3A_47 = vector.shape_cast %get3A_46 : vector<1x16xi32> to vector<16xi32>
      %dma_start3A_48 = arith.constant 48 : i32
      %dma_start3A_49 = arith.constant 0 : i32
      %dma_start3A_50 = tpu.memref_slice %arg6[%dma_start3A_48, %dma_start3A_49] : memref<256x128xf32, #tpu.memory_space<vmem>> -> memref<16x128xf32, #tpu.memory_space<vmem>>
      %dma_start3A_51 = arith.constant 0 : i32
      %dma_start3A_52 = arith.constant 0 : i32
      %dma_start3A_53 = tpu.memref_slice %arg2[%dma_start3A_51, %dma_start3A_52] : memref<8192x128xf32, #tpu.memory_space<hbm>> -> memref<8192x128xf32, #tpu.memory_space<hbm>>
      tpu.enqueue_indirect_dma source(%dma_start3A_53 : memref<8192x128xf32, #tpu.memory_space<hbm>>) target(%dma_start3A_50 : memref<16x128xf32, #tpu.memory_space<vmem>>) offsets(%get3A_47 : vector<16xi32>) semaphore(%arg7 : memref<!tpu.dma_semaphore, #tpu.memory_space<semaphore_mem>>)
      %get3A_54 = arith.constant 4 : i32
      %get3A_55 = arith.index_cast %get3A_54 : i32 to index
      %get3A_56 = arith.constant 0 : index
      %get3A_57 = tpu.vector_load %arg5[%get3A_55, %get3A_56] {strides = array<i32>} : memref<16x16xi32, #tpu.memory_space<vmem>>, vector<1x16xi32>,
      %get3A_58 = vector.shape_cast %get3A_57 : vector<1x16xi32> to vector<16xi32>
      %dma_start3A_59 = arith.constant 64 : i32
      %dma_start3A_60 = arith.constant 0 : i32
      %dma_start3A_61 = tpu.memref_slice %arg6[%dma_start3A_59, %dma_start3A_60] : memref<256x128xf32, #tpu.memory_space<vmem>> -> memref<16x128xf32, #tpu.memory_space<vmem>>
      %dma_start3A_62 = arith.constant 0 : i32
      %dma_start3A_63 = arith.constant 0 : i32
      %dma_start3A_64 = tpu.memref_slice %arg2[%dma_start3A_62, %dma_start3A_63] : memref<8192x128xf32, #tpu.memory_space<hbm>> -> memref<8192x128xf32, #tpu.memory_space<hbm>>
      tpu.enqueue_indirect_dma source(%dma_start3A_64 : memref<8192x128xf32, #tpu.memory_space<hbm>>) target(%dma_start3A_61 : memref<16x128xf32, #tpu.memory_space<vmem>>) offsets(%get3A_58 : vector<16xi32>) semaphore(%arg7 : memref<!tpu.dma_semaphore, #tpu.memory_space<semaphore_mem>>)
      %get3A_65 = arith.constant 5 : i32
      %get3A_66 = arith.index_cast %get3A_65 : i32 to index
      %get3A_67 = arith.constant 0 : index
      %get3A_68 = tpu.vector_load %arg5[%get3A_66, %get3A_67] {strides = array<i32>} : memref<16x16xi32, #tpu.memory_space<vmem>>, vector<1x16xi32>,
      %get3A_69 = vector.shape_cast %get3A_68 : vector<1x16xi32> to vector<16xi32>
      %dma_start3A_70 = arith.constant 80 : i32
      %dma_start3A_71 = arith.constant 0 : i32
      %dma_start3A_72 = tpu.memref_slice %arg6[%dma_start3A_70, %dma_start3A_71] : memref<256x128xf32, #tpu.memory_space<vmem>> -> memref<16x128xf32, #tpu.memory_space<vmem>>
      %dma_start3A_73 = arith.constant 0 : i32
      %dma_start3A_74 = arith.constant 0 : i32
      %dma_start3A_75 = tpu.memref_slice %arg2[%dma_start3A_73, %dma_start3A_74] : memref<8192x128xf32, #tpu.memory_space<hbm>> -> memref<8192x128xf32, #tpu.memory_space<hbm>>
      tpu.enqueue_indirect_dma source(%dma_start3A_75 : memref<8192x128xf32, #tpu.memory_space<hbm>>) target(%dma_start3A_72 : memref<16x128xf32, #tpu.memory_space<vmem>>) offsets(%get3A_69 : vector<16xi32>) semaphore(%arg7 : memref<!tpu.dma_semaphore, #tpu.memory_space<semaphore_mem>>)
      %get3A_76 = arith.constant 6 : i32
      %get3A_77 = arith.index_cast %get3A_76 : i32 to index
      %get3A_78 = arith.constant 0 : index
      %get3A_79 = tpu.vector_load %arg5[%get3A_77, %get3A_78] {strides = array<i32>} : memref<16x16xi32, #tpu.memory_space<vmem>>, vector<1x16xi32>,
      %get3A_80 = vector.shape_cast %get3A_79 : vector<1x16xi32> to vector<16xi32>
      %dma_start3A_81 = arith.constant 96 : i32
      %dma_start3A_82 = arith.constant 0 : i32
      %dma_start3A_83 = tpu.memref_slice %arg6[%dma_start3A_81, %dma_start3A_82] : memref<256x128xf32, #tpu.memory_space<vmem>> -> memref<16x128xf32, #tpu.memory_space<vmem>>
      %dma_start3A_84 = arith.constant 0 : i32
      %dma_start3A_85 = arith.constant 0 : i32
      %dma_start3A_86 = tpu.memref_slice %arg2[%dma_start3A_84, %dma_start3A_85] : memref<8192x128xf32, #tpu.memory_space<hbm>> -> memref<8192x128xf32, #tpu.memory_space<hbm>>
      tpu.enqueue_indirect_dma source(%dma_start3A_86 : memref<8192x128xf32, #tpu.memory_space<hbm>>) target(%dma_start3A_83 : memref<16x128xf32, #tpu.memory_space<vmem>>) offsets(%get3A_80 : vector<16xi32>) semaphore(%arg7 : memref<!tpu.dma_semaphore, #tpu.memory_space<semaphore_mem>>)
      %get3A_87 = arith.constant 7 : i32
      %get3A_88 = arith.index_cast %get3A_87 : i32 to index
      %get3A_89 = arith.constant 0 : index
      %get3A_90 = tpu.vector_load %arg5[%get3A_88, %get3A_89] {strides = array<i32>} : memref<16x16xi32, #tpu.memory_space<vmem>>, vector<1x16xi32>,
      %get3A_91 = vector.shape_cast %get3A_90 : vector<1x16xi32> to vector<16xi32>
      %dma_start3A_92 = arith.constant 112 : i32
      %dma_start3A_93 = arith.constant 0 : i32
      %dma_start3A_94 = tpu.memref_slice %arg6[%dma_start3A_92, %dma_start3A_93] : memref<256x128xf32, #tpu.memory_space<vmem>> -> memref<16x128xf32, #tpu.memory_space<vmem>>
      %dma_start3A_95 = arith.constant 0 : i32
      %dma_start3A_96 = arith.constant 0 : i32
      %dma_start3A_97 = tpu.memref_slice %arg2[%dma_start3A_95, %dma_start3A_96] : memref<8192x128xf32, #tpu.memory_space<hbm>> -> memref<8192x128xf32, #tpu.memory_space<hbm>>
      tpu.enqueue_indirect_dma source(%dma_start3A_97 : memref<8192x128xf32, #tpu.memory_space<hbm>>) target(%dma_start3A_94 : memref<16x128xf32, #tpu.memory_space<vmem>>) offsets(%get3A_91 : vector<16xi32>) semaphore(%arg7 : memref<!tpu.dma_semaphore, #tpu.memory_space<semaphore_mem>>)
      %get3A_98 = arith.constant 8 : i32
      %get3A_99 = arith.index_cast %get3A_98 : i32 to index
      %get3A_100 = arith.constant 0 : index
      %get3A_101 = tpu.vector_load %arg5[%get3A_99, %get3A_100] {strides = array<i32>} : memref<16x16xi32, #tpu.memory_space<vmem>>, vector<1x16xi32>,
      %get3A_102 = vector.shape_cast %get3A_101 : vector<1x16xi32> to vector<16xi32>
      %dma_start3A_103 = arith.constant 128 : i32
      %dma_start3A_104 = arith.constant 0 : i32
      %dma_start3A_105 = tpu.memref_slice %arg6[%dma_start3A_103, %dma_start3A_104] : memref<256x128xf32, #tpu.memory_space<vmem>> -> memref<16x128xf32, #tpu.memory_space<vmem>>
      %dma_start3A_106 = arith.constant 0 : i32
      %dma_start3A_107 = arith.constant 0 : i32
      %dma_start3A_108 = tpu.memref_slice %arg2[%dma_start3A_106, %dma_start3A_107] : memref<8192x128xf32, #tpu.memory_space<hbm>> -> memref<8192x128xf32, #tpu.memory_space<hbm>>
      tpu.enqueue_indirect_dma source(%dma_start3A_108 : memref<8192x128xf32, #tpu.memory_space<hbm>>) target(%dma_start3A_105 : memref<16x128xf32, #tpu.memory_space<vmem>>) offsets(%get3A_102 : vector<16xi32>) semaphore(%arg7 : memref<!tpu.dma_semaphore, #tpu.memory_space<semaphore_mem>>)
      %get3A_109 = arith.constant 9 : i32
      %get3A_110 = arith.index_cast %get3A_109 : i32 to index
      %get3A_111 = arith.constant 0 : index
      %get3A_112 = tpu.vector_load %arg5[%get3A_110, %get3A_111] {strides = array<i32>} : memref<16x16xi32, #tpu.memory_space<vmem>>, vector<1x16xi32>,
      %get3A_113 = vector.shape_cast %get3A_112 : vector<1x16xi32> to vector<16xi32>
      %dma_start3A_114 = arith.constant 144 : i32
      %dma_start3A_115 = arith.constant 0 : i32
      %dma_start3A_116 = tpu.memref_slice %arg6[%dma_start3A_114, %dma_start3A_115] : memref<256x128xf32, #tpu.memory_space<vmem>> -> memref<16x128xf32, #tpu.memory_space<vmem>>
      %dma_start3A_117 = arith.constant 0 : i32
      %dma_start3A_118 = arith.constant 0 : i32
      %dma_start3A_119 = tpu.memref_slice %arg2[%dma_start3A_117, %dma_start3A_118] : memref<8192x128xf32, #tpu.memory_space<hbm>> -> memref<8192x128xf32, #tpu.memory_space<hbm>>
      tpu.enqueue_indirect_dma source(%dma_start3A_119 : memref<8192x128xf32, #tpu.memory_space<hbm>>) target(%dma_start3A_116 : memref<16x128xf32, #tpu.memory_space<vmem>>) offsets(%get3A_113 : vector<16xi32>) semaphore(%arg7 : memref<!tpu.dma_semaphore, #tpu.memory_space<semaphore_mem>>)
      %get3A_120 = arith.constant 10 : i32
      %get3A_121 = arith.index_cast %get3A_120 : i32 to index
      %get3A_122 = arith.constant 0 : index
      %get3A_123 = tpu.vector_load %arg5[%get3A_121, %get3A_122] {strides = array<i32>} : memref<16x16xi32, #tpu.memory_space<vmem>>, vector<1x16xi32>,
      %get3A_124 = vector.shape_cast %get3A_123 : vector<1x16xi32> to vector<16xi32>
      %dma_start3A_125 = arith.constant 160 : i32
      %dma_start3A_126 = arith.constant 0 : i32
      %dma_start3A_127 = tpu.memref_slice %arg6[%dma_start3A_125, %dma_start3A_126] : memref<256x128xf32, #tpu.memory_space<vmem>> -> memref<16x128xf32, #tpu.memory_space<vmem>>
      %dma_start3A_128 = arith.constant 0 : i32
      %dma_start3A_129 = arith.constant 0 : i32
      %dma_start3A_130 = tpu.memref_slice %arg2[%dma_start3A_128, %dma_start3A_129] : memref<8192x128xf32, #tpu.memory_space<hbm>> -> memref<8192x128xf32, #tpu.memory_space<hbm>>
      tpu.enqueue_indirect_dma source(%dma_start3A_130 : memref<8192x128xf32, #tpu.memory_space<hbm>>) target(%dma_start3A_127 : memref<16x128xf32, #tpu.memory_space<vmem>>) offsets(%get3A_124 : vector<16xi32>) semaphore(%arg7 : memref<!tpu.dma_semaphore, #tpu.memory_space<semaphore_mem>>)
      %get3A_131 = arith.constant 11 : i32
      %get3A_132 = arith.index_cast %get3A_131 : i32 to index
      %get3A_133 = arith.constant 0 : index
      %get3A_134 = tpu.vector_load %arg5[%get3A_132, %get3A_133] {strides = array<i32>} : memref<16x16xi32, #tpu.memory_space<vmem>>, vector<1x16xi32>,
      %get3A_135 = vector.shape_cast %get3A_134 : vector<1x16xi32> to vector<16xi32>
      %dma_start3A_136 = arith.constant 176 : i32
      %dma_start3A_137 = arith.constant 0 : i32
      %dma_start3A_138 = tpu.memref_slice %arg6[%dma_start3A_136, %dma_start3A_137] : memref<256x128xf32, #tpu.memory_space<vmem>> -> memref<16x128xf32, #tpu.memory_space<vmem>>
      %dma_start3A_139 = arith.constant 0 : i32
      %dma_start3A_140 = arith.constant 0 : i32
      %dma_start3A_141 = tpu.memref_slice %arg2[%dma_start3A_139, %dma_start3A_140] : memref<8192x128xf32, #tpu.memory_space<hbm>> -> memref<8192x128xf32, #tpu.memory_space<hbm>>
      tpu.enqueue_indirect_dma source(%dma_start3A_141 : memref<8192x128xf32, #tpu.memory_space<hbm>>) target(%dma_start3A_138 : memref<16x128xf32, #tpu.memory_space<vmem>>) offsets(%get3A_135 : vector<16xi32>) semaphore(%arg7 : memref<!tpu.dma_semaphore, #tpu.memory_space<semaphore_mem>>)
      %get3A_142 = arith.constant 12 : i32
      %get3A_143 = arith.index_cast %get3A_142 : i32 to index
      %get3A_144 = arith.constant 0 : index
      %get3A_145 = tpu.vector_load %arg5[%get3A_143, %get3A_144] {strides = array<i32>} : memref<16x16xi32, #tpu.memory_space<vmem>>, vector<1x16xi32>,
      %get3A_146 = vector.shape_cast %get3A_145 : vector<1x16xi32> to vector<16xi32>
      %dma_start3A_147 = arith.constant 192 : i32
      %dma_start3A_148 = arith.constant 0 : i32
      %dma_start3A_149 = tpu.memref_slice %arg6[%dma_start3A_147, %dma_start3A_148] : memref<256x128xf32, #tpu.memory_space<vmem>> -> memref<16x128xf32, #tpu.memory_space<vmem>>
      %dma_start3A_150 = arith.constant 0 : i32
      %dma_start3A_151 = arith.constant 0 : i32
      %dma_start3A_152 = tpu.memref_slice %arg2[%dma_start3A_150, %dma_start3A_151] : memref<8192x128xf32, #tpu.memory_space<hbm>> -> memref<8192x128xf32, #tpu.memory_space<hbm>>
      tpu.enqueue_indirect_dma source(%dma_start3A_152 : memref<8192x128xf32, #tpu.memory_space<hbm>>) target(%dma_start3A_149 : memref<16x128xf32, #tpu.memory_space<vmem>>) offsets(%get3A_146 : vector<16xi32>) semaphore(%arg7 : memref<!tpu.dma_semaphore, #tpu.memory_space<semaphore_mem>>)
      %get3A_153 = arith.constant 13 : i32
      %get3A_154 = arith.index_cast %get3A_153 : i32 to index
      %get3A_155 = arith.constant 0 : index
      %get3A_156 = tpu.vector_load %arg5[%get3A_154, %get3A_155] {strides = array<i32>} : memref<16x16xi32, #tpu.memory_space<vmem>>, vector<1x16xi32>,
      %get3A_157 = vector.shape_cast %get3A_156 : vector<1x16xi32> to vector<16xi32>
      %dma_start3A_158 = arith.constant 208 : i32
      %dma_start3A_159 = arith.constant 0 : i32
      %dma_start3A_160 = tpu.memref_slice %arg6[%dma_start3A_158, %dma_start3A_159] : memref<256x128xf32, #tpu.memory_space<vmem>> -> memref<16x128xf32, #tpu.memory_space<vmem>>
      %dma_start3A_161 = arith.constant 0 : i32
      %dma_start3A_162 = arith.constant 0 : i32
      %dma_start3A_163 = tpu.memref_slice %arg2[%dma_start3A_161, %dma_start3A_162] : memref<8192x128xf32, #tpu.memory_space<hbm>> -> memref<8192x128xf32, #tpu.memory_space<hbm>>
      tpu.enqueue_indirect_dma source(%dma_start3A_163 : memref<8192x128xf32, #tpu.memory_space<hbm>>) target(%dma_start3A_160 : memref<16x128xf32, #tpu.memory_space<vmem>>) offsets(%get3A_157 : vector<16xi32>) semaphore(%arg7 : memref<!tpu.dma_semaphore, #tpu.memory_space<semaphore_mem>>)
      %get3A_164 = arith.constant 14 : i32
      %get3A_165 = arith.index_cast %get3A_164 : i32 to index
      %get3A_166 = arith.constant 0 : index
      %get3A_167 = tpu.vector_load %arg5[%get3A_165, %get3A_166] {strides = array<i32>} : memref<16x16xi32, #tpu.memory_space<vmem>>, vector<1x16xi32>,
      %get3A_168 = vector.shape_cast %get3A_167 : vector<1x16xi32> to vector<16xi32>
      %dma_start3A_169 = arith.constant 224 : i32
      %dma_start3A_170 = arith.constant 0 : i32
      %dma_start3A_171 = tpu.memref_slice %arg6[%dma_start3A_169, %dma_start3A_170] : memref<256x128xf32, #tpu.memory_space<vmem>> -> memref<16x128xf32, #tpu.memory_space<vmem>>
      %dma_start3A_172 = arith.constant 0 : i32
      %dma_start3A_173 = arith.constant 0 : i32
      %dma_start3A_174 = tpu.memref_slice %arg2[%dma_start3A_172, %dma_start3A_173] : memref<8192x128xf32, #tpu.memory_space<hbm>> -> memref<8192x128xf32, #tpu.memory_space<hbm>>
      tpu.enqueue_indirect_dma source(%dma_start3A_174 : memref<8192x128xf32, #tpu.memory_space<hbm>>) target(%dma_start3A_171 : memref<16x128xf32, #tpu.memory_space<vmem>>) offsets(%get3A_168 : vector<16xi32>) semaphore(%arg7 : memref<!tpu.dma_semaphore, #tpu.memory_space<semaphore_mem>>)
      %get3A_175 = arith.constant 15 : i32
      %get3A_176 = arith.index_cast %get3A_175 : i32 to index
      %get3A_177 = arith.constant 0 : index
      %get3A_178 = tpu.vector_load %arg5[%get3A_176, %get3A_177] {strides = array<i32>} : memref<16x16xi32, #tpu.memory_space<vmem>>, vector<1x16xi32>,
      %get3A_179 = vector.shape_cast %get3A_178 : vector<1x16xi32> to vector<16xi32>
      %dma_start3A_180 = arith.constant 240 : i32
      %dma_start3A_181 = arith.constant 0 : i32
      %dma_start3A_182 = tpu.memref_slice %arg6[%dma_start3A_180, %dma_start3A_181] : memref<256x128xf32, #tpu.memory_space<vmem>> -> memref<16x128xf32, #tpu.memory_space<vmem>>
      %dma_start3A_183 = arith.constant 0 : i32
      %dma_start3A_184 = arith.constant 0 : i32
      %dma_start3A_185 = tpu.memref_slice %arg2[%dma_start3A_183, %dma_start3A_184] : memref<8192x128xf32, #tpu.memory_space<hbm>> -> memref<8192x128xf32, #tpu.memory_space<hbm>>
      tpu.enqueue_indirect_dma source(%dma_start3A_185 : memref<8192x128xf32, #tpu.memory_space<hbm>>) target(%dma_start3A_182 : memref<16x128xf32, #tpu.memory_space<vmem>>) offsets(%get3A_179 : vector<16xi32>) semaphore(%arg7 : memref<!tpu.dma_semaphore, #tpu.memory_space<semaphore_mem>>)
      %dma_wait3A = arith.constant 0 : i32
      %dma_wait3A_186 = arith.constant 0 : i32
      %dma_wait3A_187 = tpu.memref_slice %arg6[%dma_wait3A, %dma_wait3A_186] : memref<256x128xf32, #tpu.memory_space<vmem>> -> memref<16x128xf32, #tpu.memory_space<vmem>>
      %dma_wait3A_188 = arith.constant 0 : i32
      %dma_wait3A_189 = arith.constant 0 : i32
      %dma_wait3A_190 = tpu.memref_slice %arg2[%dma_wait3A_188, %dma_wait3A_189] : memref<8192x128xf32, #tpu.memory_space<hbm>> -> memref<8192x128xf32, #tpu.memory_space<hbm>>
      tpu.wait_indirect_dma semaphore(%arg7 : memref<!tpu.dma_semaphore, #tpu.memory_space<semaphore_mem>>) src(%dma_wait3A_190 : memref<8192x128xf32, #tpu.memory_space<hbm>>) dst(%dma_wait3A_187 : memref<16x128xf32, #tpu.memory_space<vmem>>)
      %dma_wait3A_191 = arith.constant 16 : i32
      %dma_wait3A_192 = arith.constant 0 : i32
      %dma_wait3A_193 = tpu.memref_slice %arg6[%dma_wait3A_191, %dma_wait3A_192] : memref<256x128xf32, #tpu.memory_space<vmem>> -> memref<16x128xf32, #tpu.memory_space<vmem>>
      %dma_wait3A_194 = arith.constant 0 : i32
      %dma_wait3A_195 = arith.constant 0 : i32
      %dma_wait3A_196 = tpu.memref_slice %arg2[%dma_wait3A_194, %dma_wait3A_195] : memref<8192x128xf32, #tpu.memory_space<hbm>> -> memref<8192x128xf32, #tpu.memory_space<hbm>>
      tpu.wait_indirect_dma semaphore(%arg7 : memref<!tpu.dma_semaphore, #tpu.memory_space<semaphore_mem>>) src(%dma_wait3A_196 : memref<8192x128xf32, #tpu.memory_space<hbm>>) dst(%dma_wait3A_193 : memref<16x128xf32, #tpu.memory_space<vmem>>)
      %dma_wait3A_197 = arith.constant 32 : i32
      %dma_wait3A_198 = arith.constant 0 : i32
      %dma_wait3A_199 = tpu.memref_slice %arg6[%dma_wait3A_197, %dma_wait3A_198] : memref<256x128xf32, #tpu.memory_space<vmem>> -> memref<16x128xf32, #tpu.memory_space<vmem>>
      %dma_wait3A_200 = arith.constant 0 : i32
      %dma_wait3A_201 = arith.constant 0 : i32
      %dma_wait3A_202 = tpu.memref_slice %arg2[%dma_wait3A_200, %dma_wait3A_201] : memref<8192x128xf32, #tpu.memory_space<hbm>> -> memref<8192x128xf32, #tpu.memory_space<hbm>>
      tpu.wait_indirect_dma semaphore(%arg7 : memref<!tpu.dma_semaphore, #tpu.memory_space<semaphore_mem>>) src(%dma_wait3A_202 : memref<8192x128xf32, #tpu.memory_space<hbm>>) dst(%dma_wait3A_199 : memref<16x128xf32, #tpu.memory_space<vmem>>)
      %dma_wait3A_203 = arith.constant 48 : i32
      %dma_wait3A_204 = arith.constant 0 : i32
      %dma_wait3A_205 = tpu.memref_slice %arg6[%dma_wait3A_203, %dma_wait3A_204] : memref<256x128xf32, #tpu.memory_space<vmem>> -> memref<16x128xf32, #tpu.memory_space<vmem>>
      %dma_wait3A_206 = arith.constant 0 : i32
      %dma_wait3A_207 = arith.constant 0 : i32
      %dma_wait3A_208 = tpu.memref_slice %arg2[%dma_wait3A_206, %dma_wait3A_207] : memref<8192x128xf32, #tpu.memory_space<hbm>> -> memref<8192x128xf32, #tpu.memory_space<hbm>>
      tpu.wait_indirect_dma semaphore(%arg7 : memref<!tpu.dma_semaphore, #tpu.memory_space<semaphore_mem>>) src(%dma_wait3A_208 : memref<8192x128xf32, #tpu.memory_space<hbm>>) dst(%dma_wait3A_205 : memref<16x128xf32, #tpu.memory_space<vmem>>)
      %dma_wait3A_209 = arith.constant 64 : i32
      %dma_wait3A_210 = arith.constant 0 : i32
      %dma_wait3A_211 = tpu.memref_slice %arg6[%dma_wait3A_209, %dma_wait3A_210] : memref<256x128xf32, #tpu.memory_space<vmem>> -> memref<16x128xf32, #tpu.memory_space<vmem>>
      %dma_wait3A_212 = arith.constant 0 : i32
      %dma_wait3A_213 = arith.constant 0 : i32
      %dma_wait3A_214 = tpu.memref_slice %arg2[%dma_wait3A_212, %dma_wait3A_213] : memref<8192x128xf32, #tpu.memory_space<hbm>> -> memref<8192x128xf32, #tpu.memory_space<hbm>>
      tpu.wait_indirect_dma semaphore(%arg7 : memref<!tpu.dma_semaphore, #tpu.memory_space<semaphore_mem>>) src(%dma_wait3A_214 : memref<8192x128xf32, #tpu.memory_space<hbm>>) dst(%dma_wait3A_211 : memref<16x128xf32, #tpu.memory_space<vmem>>)
      %dma_wait3A_215 = arith.constant 80 : i32
      %dma_wait3A_216 = arith.constant 0 : i32
      %dma_wait3A_217 = tpu.memref_slice %arg6[%dma_wait3A_215, %dma_wait3A_216] : memref<256x128xf32, #tpu.memory_space<vmem>> -> memref<16x128xf32, #tpu.memory_space<vmem>>
      %dma_wait3A_218 = arith.constant 0 : i32
      %dma_wait3A_219 = arith.constant 0 : i32
      %dma_wait3A_220 = tpu.memref_slice %arg2[%dma_wait3A_218, %dma_wait3A_219] : memref<8192x128xf32, #tpu.memory_space<hbm>> -> memref<8192x128xf32, #tpu.memory_space<hbm>>
      tpu.wait_indirect_dma semaphore(%arg7 : memref<!tpu.dma_semaphore, #tpu.memory_space<semaphore_mem>>) src(%dma_wait3A_220 : memref<8192x128xf32, #tpu.memory_space<hbm>>) dst(%dma_wait3A_217 : memref<16x128xf32, #tpu.memory_space<vmem>>)
      %dma_wait3A_221 = arith.constant 96 : i32
      %dma_wait3A_222 = arith.constant 0 : i32
      %dma_wait3A_223 = tpu.memref_slice %arg6[%dma_wait3A_221, %dma_wait3A_222] : memref<256x128xf32, #tpu.memory_space<vmem>> -> memref<16x128xf32, #tpu.memory_space<vmem>>
      %dma_wait3A_224 = arith.constant 0 : i32
      %dma_wait3A_225 = arith.constant 0 : i32
      %dma_wait3A_226 = tpu.memref_slice %arg2[%dma_wait3A_224, %dma_wait3A_225] : memref<8192x128xf32, #tpu.memory_space<hbm>> -> memref<8192x128xf32, #tpu.memory_space<hbm>>
      tpu.wait_indirect_dma semaphore(%arg7 : memref<!tpu.dma_semaphore, #tpu.memory_space<semaphore_mem>>) src(%dma_wait3A_226 : memref<8192x128xf32, #tpu.memory_space<hbm>>) dst(%dma_wait3A_223 : memref<16x128xf32, #tpu.memory_space<vmem>>)
      %dma_wait3A_227 = arith.constant 112 : i32
      %dma_wait3A_228 = arith.constant 0 : i32
      %dma_wait3A_229 = tpu.memref_slice %arg6[%dma_wait3A_227, %dma_wait3A_228] : memref<256x128xf32, #tpu.memory_space<vmem>> -> memref<16x128xf32, #tpu.memory_space<vmem>>
      %dma_wait3A_230 = arith.constant 0 : i32
      %dma_wait3A_231 = arith.constant 0 : i32
      %dma_wait3A_232 = tpu.memref_slice %arg2[%dma_wait3A_230, %dma_wait3A_231] : memref<8192x128xf32, #tpu.memory_space<hbm>> -> memref<8192x128xf32, #tpu.memory_space<hbm>>
      tpu.wait_indirect_dma semaphore(%arg7 : memref<!tpu.dma_semaphore, #tpu.memory_space<semaphore_mem>>) src(%dma_wait3A_232 : memref<8192x128xf32, #tpu.memory_space<hbm>>) dst(%dma_wait3A_229 : memref<16x128xf32, #tpu.memory_space<vmem>>)
      %dma_wait3A_233 = arith.constant 128 : i32
      %dma_wait3A_234 = arith.constant 0 : i32
      %dma_wait3A_235 = tpu.memref_slice %arg6[%dma_wait3A_233, %dma_wait3A_234] : memref<256x128xf32, #tpu.memory_space<vmem>> -> memref<16x128xf32, #tpu.memory_space<vmem>>
      %dma_wait3A_236 = arith.constant 0 : i32
      %dma_wait3A_237 = arith.constant 0 : i32
      %dma_wait3A_238 = tpu.memref_slice %arg2[%dma_wait3A_236, %dma_wait3A_237] : memref<8192x128xf32, #tpu.memory_space<hbm>> -> memref<8192x128xf32, #tpu.memory_space<hbm>>
      tpu.wait_indirect_dma semaphore(%arg7 : memref<!tpu.dma_semaphore, #tpu.memory_space<semaphore_mem>>) src(%dma_wait3A_238 : memref<8192x128xf32, #tpu.memory_space<hbm>>) dst(%dma_wait3A_235 : memref<16x128xf32, #tpu.memory_space<vmem>>)
      %dma_wait3A_239 = arith.constant 144 : i32
      %dma_wait3A_240 = arith.constant 0 : i32
      %dma_wait3A_241 = tpu.memref_slice %arg6[%dma_wait3A_239, %dma_wait3A_240] : memref<256x128xf32, #tpu.memory_space<vmem>> -> memref<16x128xf32, #tpu.memory_space<vmem>>
      %dma_wait3A_242 = arith.constant 0 : i32
      %dma_wait3A_243 = arith.constant 0 : i32
      %dma_wait3A_244 = tpu.memref_slice %arg2[%dma_wait3A_242, %dma_wait3A_243] : memref<8192x128xf32, #tpu.memory_space<hbm>> -> memref<8192x128xf32, #tpu.memory_space<hbm>>
      tpu.wait_indirect_dma semaphore(%arg7 : memref<!tpu.dma_semaphore, #tpu.memory_space<semaphore_mem>>) src(%dma_wait3A_244 : memref<8192x128xf32, #tpu.memory_space<hbm>>) dst(%dma_wait3A_241 : memref<16x128xf32, #tpu.memory_space<vmem>>)
      %dma_wait3A_245 = arith.constant 160 : i32
      %dma_wait3A_246 = arith.constant 0 : i32
      %dma_wait3A_247 = tpu.memref_slice %arg6[%dma_wait3A_245, %dma_wait3A_246] : memref<256x128xf32, #tpu.memory_space<vmem>> -> memref<16x128xf32, #tpu.memory_space<vmem>>
      %dma_wait3A_248 = arith.constant 0 : i32
      %dma_wait3A_249 = arith.constant 0 : i32
      %dma_wait3A_250 = tpu.memref_slice %arg2[%dma_wait3A_248, %dma_wait3A_249] : memref<8192x128xf32, #tpu.memory_space<hbm>> -> memref<8192x128xf32, #tpu.memory_space<hbm>>
      tpu.wait_indirect_dma semaphore(%arg7 : memref<!tpu.dma_semaphore, #tpu.memory_space<semaphore_mem>>) src(%dma_wait3A_250 : memref<8192x128xf32, #tpu.memory_space<hbm>>) dst(%dma_wait3A_247 : memref<16x128xf32, #tpu.memory_space<vmem>>)
      %dma_wait3A_251 = arith.constant 176 : i32
      %dma_wait3A_252 = arith.constant 0 : i32
      %dma_wait3A_253 = tpu.memref_slice %arg6[%dma_wait3A_251, %dma_wait3A_252] : memref<256x128xf32, #tpu.memory_space<vmem>> -> memref<16x128xf32, #tpu.memory_space<vmem>>
      %dma_wait3A_254 = arith.constant 0 : i32
      %dma_wait3A_255 = arith.constant 0 : i32
      %dma_wait3A_256 = tpu.memref_slice %arg2[%dma_wait3A_254, %dma_wait3A_255] : memref<8192x128xf32, #tpu.memory_space<hbm>> -> memref<8192x128xf32, #tpu.memory_space<hbm>>
      tpu.wait_indirect_dma semaphore(%arg7 : memref<!tpu.dma_semaphore, #tpu.memory_space<semaphore_mem>>) src(%dma_wait3A_256 : memref<8192x128xf32, #tpu.memory_space<hbm>>) dst(%dma_wait3A_253 : memref<16x128xf32, #tpu.memory_space<vmem>>)
      %dma_wait3A_257 = arith.constant 192 : i32
      %dma_wait3A_258 = arith.constant 0 : i32
      %dma_wait3A_259 = tpu.memref_slice %arg6[%dma_wait3A_257, %dma_wait3A_258] : memref<256x128xf32, #tpu.memory_space<vmem>> -> memref<16x128xf32, #tpu.memory_space<vmem>>
      %dma_wait3A_260 = arith.constant 0 : i32
      %dma_wait3A_261 = arith.constant 0 : i32
      %dma_wait3A_262 = tpu.memref_slice %arg2[%dma_wait3A_260, %dma_wait3A_261] : memref<8192x128xf32, #tpu.memory_space<hbm>> -> memref<8192x128xf32, #tpu.memory_space<hbm>>
      tpu.wait_indirect_dma semaphore(%arg7 : memref<!tpu.dma_semaphore, #tpu.memory_space<semaphore_mem>>) src(%dma_wait3A_262 : memref<8192x128xf32, #tpu.memory_space<hbm>>) dst(%dma_wait3A_259 : memref<16x128xf32, #tpu.memory_space<vmem>>)
      %dma_wait3A_263 = arith.constant 208 : i32
      %dma_wait3A_264 = arith.constant 0 : i32
      %dma_wait3A_265 = tpu.memref_slice %arg6[%dma_wait3A_263, %dma_wait3A_264] : memref<256x128xf32, #tpu.memory_space<vmem>> -> memref<16x128xf32, #tpu.memory_space<vmem>>
      %dma_wait3A_266 = arith.constant 0 : i32
      %dma_wait3A_267 = arith.constant 0 : i32
      %dma_wait3A_268 = tpu.memref_slice %arg2[%dma_wait3A_266, %dma_wait3A_267] : memref<8192x128xf32, #tpu.memory_space<hbm>> -> memref<8192x128xf32, #tpu.memory_space<hbm>>
      tpu.wait_indirect_dma semaphore(%arg7 : memref<!tpu.dma_semaphore, #tpu.memory_space<semaphore_mem>>) src(%dma_wait3A_268 : memref<8192x128xf32, #tpu.memory_space<hbm>>) dst(%dma_wait3A_265 : memref<16x128xf32, #tpu.memory_space<vmem>>)
      %dma_wait3A_269 = arith.constant 224 : i32
      %dma_wait3A_270 = arith.constant 0 : i32
      %dma_wait3A_271 = tpu.memref_slice %arg6[%dma_wait3A_269, %dma_wait3A_270] : memref<256x128xf32, #tpu.memory_space<vmem>> -> memref<16x128xf32, #tpu.memory_space<vmem>>
      %dma_wait3A_272 = arith.constant 0 : i32
      %dma_wait3A_273 = arith.constant 0 : i32
      %dma_wait3A_274 = tpu.memref_slice %arg2[%dma_wait3A_272, %dma_wait3A_273] : memref<8192x128xf32, #tpu.memory_space<hbm>> -> memref<8192x128xf32, #tpu.memory_space<hbm>>
      tpu.wait_indirect_dma semaphore(%arg7 : memref<!tpu.dma_semaphore, #tpu.memory_space<semaphore_mem>>) src(%dma_wait3A_274 : memref<8192x128xf32, #tpu.memory_space<hbm>>) dst(%dma_wait3A_271 : memref<16x128xf32, #tpu.memory_space<vmem>>)
      %dma_wait3A_275 = arith.constant 240 : i32
      %dma_wait3A_276 = arith.constant 0 : i32
      %dma_wait3A_277 = tpu.memref_slice %arg6[%dma_wait3A_275, %dma_wait3A_276] : memref<256x128xf32, #tpu.memory_space<vmem>> -> memref<16x128xf32, #tpu.memory_space<vmem>>
      %dma_wait3A_278 = arith.constant 0 : i32
      %dma_wait3A_279 = arith.constant 0 : i32
      %dma_wait3A_280 = tpu.memref_slice %arg2[%dma_wait3A_278, %dma_wait3A_279] : memref<8192x128xf32, #tpu.memory_space<hbm>> -> memref<8192x128xf32, #tpu.memory_space<hbm>>
      tpu.wait_indirect_dma semaphore(%arg7 : memref<!tpu.dma_semaphore, #tpu.memory_space<semaphore_mem>>) src(%dma_wait3A_280 : memref<8192x128xf32, #tpu.memory_space<hbm>>) dst(%dma_wait3A_277 : memref<16x128xf32, #tpu.memory_space<vmem>>)
      %mul3A_281 = arith.constant 16 : i32
      %mul3A_282 = arith.muli %add3A_11, %mul3A_281 : i32
      "tpu.region"() ({
        %run_scoped3A = tpu.sem_alloc : memref<!tpu.dma_semaphore, #tpu.memory_space<semaphore_mem>>
        %dma_start3A_283 = arith.constant 0 : i32
        %dma_start3A_284 = tpu.memref_slice %arg4[%mul3A_282, %dma_start3A_283] : memref<131072x128xf32, #tpu.memory_space<hbm>> -> memref<256x128xf32, #tpu.memory_space<hbm>>
        %dma_start3A_285 = arith.constant 0 : i32
        %dma_start3A_286 = tpu.memref_slice %arg4[%mul3A_282, %dma_start3A_285] : memref<131072x128xf32, #tpu.memory_space<hbm>> -> memref<256x128xf32, #tpu.memory_space<hbm>>
        tpu.enqueue_dma source(%arg6 : memref<256x128xf32, #tpu.memory_space<vmem>>) target(%dma_start3A_286 : memref<256x128xf32, #tpu.memory_space<hbm>>) target_semaphore(%run_scoped3A : memref<!tpu.dma_semaphore, #tpu.memory_space<semaphore_mem>>)
        %dma_wait3A_287 = arith.constant 0 : i32
        %dma_wait3A_288 = tpu.memref_slice %arg4[%mul3A_282, %dma_wait3A_287] : memref<131072x128xf32, #tpu.memory_space<hbm>> -> memref<256x128xf32, #tpu.memory_space<hbm>>
        %dma_wait3A_289 = arith.constant 0 : i32
        %dma_wait3A_290 = tpu.memref_slice %arg4[%mul3A_282, %dma_wait3A_289] : memref<131072x128xf32, #tpu.memory_space<hbm>> -> memref<256x128xf32, #tpu.memory_space<hbm>>
        tpu.wait_dma2 semaphore(%run_scoped3A : memref<!tpu.dma_semaphore, #tpu.memory_space<semaphore_mem>>) src(%arg6 : memref<256x128xf32, #tpu.memory_space<vmem>>) dst(%dma_wait3A_290 : memref<256x128xf32, #tpu.memory_space<hbm>>)
        tpu.yield
      }) : () -> ()
    }
    %scan3A_7 = arith.constant 16 : i32
    return
  }
}

#map = affine_map<(d0, d1) -> (0, 0)>
module attributes {stable_mosaic.version = 14 : i64} {
  func.func @body(%arg0: i32, %arg1: i32, %arg2: memref<1048576x16xf32, #tpu.memory_space<hbm>>, %arg3: memref<8192x16xi32, #tpu.memory_space<hbm>>, %arg4: memref<131072x16xf32, #tpu.memory_space<hbm>>, %arg5: memref<16x16xi32, #tpu.memory_space<vmem>>, %arg6: memref<256x16xf32, #tpu.memory_space<vmem>>, %arg7: memref<!tpu.dma_semaphore, #tpu.memory_space<semaphore_mem>>) attributes {dimension_semantics = [#tpu.dimension_semantics<core_parallel>, #tpu.dimension_semantics<subcore_parallel>], iteration_bounds = array<i64: 2, 16>, scalar_prefetch = 0 : i64, scratch_operands = 3 : i64, tpu.core_type = #tpu.core_type<sc_vector_subcore>, window_params = [{transform_indices = #map}, {transform_indices = #map}, {transform_indices = #map}]} {
    %mul3A = arith.constant 2 : i32
    %mul3A_0 = arith.muli %arg1, %mul3A : i32
    %add3A = arith.addi %mul3A_0, %arg0 : i32
    %mul3A_1 = arith.constant 256 : i32
    %mul3A_2 = arith.muli %add3A, %mul3A_1 : i32
    %scan3A = arith.constant 0 : i32
    %scan3A_3 = arith.constant 0 : i32
    %scan3A_4 = arith.constant 16 : i32
    %scan3A_5 = arith.addi %scan3A_3, %scan3A_4 : i32
    %scan3A_6 = arith.constant 1 : i32
    scf.for %scan3A_8 = %scan3A_3 to %scan3A_5 step %scan3A_6  : i32 {
      %mul3A_9 = arith.constant 16 : i32
      %mul3A_10 = arith.muli %scan3A_8, %mul3A_9 : i32
      %add3A_11 = arith.addi %mul3A_2, %mul3A_10 : i32
      "tpu.region"() ({
        %run_scoped3A = tpu.sem_alloc : memref<!tpu.dma_semaphore, #tpu.memory_space<semaphore_mem>>
        %dma_start3A_426 = arith.constant 0 : i32
        %dma_start3A_427 = tpu.memref_slice %arg3[%add3A_11, %dma_start3A_426] : memref<8192x16xi32, #tpu.memory_space<hbm>> -> memref<16x16xi32, #tpu.memory_space<hbm>>
        %dma_start3A_428 = arith.constant 0 : i32
        %dma_start3A_429 = tpu.memref_slice %arg3[%add3A_11, %dma_start3A_428] : memref<8192x16xi32, #tpu.memory_space<hbm>> -> memref<16x16xi32, #tpu.memory_space<hbm>>
        tpu.enqueue_dma source(%dma_start3A_429 : memref<16x16xi32, #tpu.memory_space<hbm>>) target(%arg5 : memref<16x16xi32, #tpu.memory_space<vmem>>) target_semaphore(%run_scoped3A : memref<!tpu.dma_semaphore, #tpu.memory_space<semaphore_mem>>)
        %dma_wait3A_430 = arith.constant 0 : i32
        %dma_wait3A_431 = tpu.memref_slice %arg3[%add3A_11, %dma_wait3A_430] : memref<8192x16xi32, #tpu.memory_space<hbm>> -> memref<16x16xi32, #tpu.memory_space<hbm>>
        %dma_wait3A_432 = arith.constant 0 : i32
        %dma_wait3A_433 = tpu.memref_slice %arg3[%add3A_11, %dma_wait3A_432] : memref<8192x16xi32, #tpu.memory_space<hbm>> -> memref<16x16xi32, #tpu.memory_space<hbm>>
        tpu.wait_dma2 semaphore(%run_scoped3A : memref<!tpu.dma_semaphore, #tpu.memory_space<semaphore_mem>>) src(%dma_wait3A_433 : memref<16x16xi32, #tpu.memory_space<hbm>>) dst(%arg5 : memref<16x16xi32, #tpu.memory_space<vmem>>)
        tpu.yield
      }) : () -> ()
      %get3A = arith.constant 0 : i32
      %get3A_12 = arith.index_cast %get3A : i32 to index
      %get3A_13 = arith.constant 0 : index
      %get3A_14 = tpu.vector_load %arg5[%get3A_12, %get3A_13] {strides = array<i32>} : memref<16x16xi32, #tpu.memory_space<vmem>>, vector<1x16xi32>,
      %get3A_15 = vector.shape_cast %get3A_14 : vector<1x16xi32> to vector<16xi32>
      %add3A_16 = arith.constant 0 : i32
      %add3A_17 = arith.addi %add3A_11, %add3A_16 : i32
      %mul3A_18 = arith.constant 2048 : i32
      %mul3A_19 = arith.muli %add3A_17, %mul3A_18 : i32
      %add3A_20 = vector.broadcast %mul3A_19 : i32 to vector<16xi32>
      %add3A_21 = arith.addi %get3A_15, %add3A_20 : vector<16xi32>
      %shift_right_logical3A = arith.constant 4 : i32
      %shift_right_logical3A_22 = vector.broadcast %shift_right_logical3A : i32 to vector<16xi32>
      %shift_right_logical3A_23 = arith.shrui %add3A_21, %shift_right_logical3A_22 : vector<16xi32>
      %dma_start3A = arith.constant 0 : i32
      %dma_start3A_24 = arith.constant 0 : i32
      %dma_start3A_25 = tpu.memref_slice %arg6[%dma_start3A, %dma_start3A_24] : memref<256x16xf32, #tpu.memory_space<vmem>> -> memref<16x16xf32, #tpu.memory_space<vmem>>
      %dma_start3A_26 = arith.constant 0 : i32
      %dma_start3A_27 = arith.constant 0 : i32
      %dma_start3A_28 = tpu.memref_slice %arg2[%dma_start3A_26, %dma_start3A_27] : memref<1048576x16xf32, #tpu.memory_space<hbm>> -> memref<1048576x16xf32, #tpu.memory_space<hbm>>
      tpu.enqueue_indirect_dma source(%dma_start3A_28 : memref<1048576x16xf32, #tpu.memory_space<hbm>>) target(%dma_start3A_25 : memref<16x16xf32, #tpu.memory_space<vmem>>) offsets(%shift_right_logical3A_23 : vector<16xi32>) semaphore(%arg7 : memref<!tpu.dma_semaphore, #tpu.memory_space<semaphore_mem>>)
      %get3A_29 = arith.constant 1 : i32
      %get3A_30 = arith.index_cast %get3A_29 : i32 to index
      %get3A_31 = arith.constant 0 : index
      %get3A_32 = tpu.vector_load %arg5[%get3A_30, %get3A_31] {strides = array<i32>} : memref<16x16xi32, #tpu.memory_space<vmem>>, vector<1x16xi32>,
      %get3A_33 = vector.shape_cast %get3A_32 : vector<1x16xi32> to vector<16xi32>
      %add3A_34 = arith.constant 1 : i32
      %add3A_35 = arith.addi %add3A_11, %add3A_34 : i32
      %mul3A_36 = arith.constant 2048 : i32
      %mul3A_37 = arith.muli %add3A_35, %mul3A_36 : i32
      %add3A_38 = vector.broadcast %mul3A_37 : i32 to vector<16xi32>
      %add3A_39 = arith.addi %get3A_33, %add3A_38 : vector<16xi32>
      %shift_right_logical3A_40 = arith.constant 4 : i32
      %shift_right_logical3A_41 = vector.broadcast %shift_right_logical3A_40 : i32 to vector<16xi32>
      %shift_right_logical3A_42 = arith.shrui %add3A_39, %shift_right_logical3A_41 : vector<16xi32>
      %dma_start3A_43 = arith.constant 16 : i32
      %dma_start3A_44 = arith.constant 0 : i32
      %dma_start3A_45 = tpu.memref_slice %arg6[%dma_start3A_43, %dma_start3A_44] : memref<256x16xf32, #tpu.memory_space<vmem>> -> memref<16x16xf32, #tpu.memory_space<vmem>>
      %dma_start3A_46 = arith.constant 0 : i32
      %dma_start3A_47 = arith.constant 0 : i32
      %dma_start3A_48 = tpu.memref_slice %arg2[%dma_start3A_46, %dma_start3A_47] : memref<1048576x16xf32, #tpu.memory_space<hbm>> -> memref<1048576x16xf32, #tpu.memory_space<hbm>>
      tpu.enqueue_indirect_dma source(%dma_start3A_48 : memref<1048576x16xf32, #tpu.memory_space<hbm>>) target(%dma_start3A_45 : memref<16x16xf32, #tpu.memory_space<vmem>>) offsets(%shift_right_logical3A_42 : vector<16xi32>) semaphore(%arg7 : memref<!tpu.dma_semaphore, #tpu.memory_space<semaphore_mem>>)
      %get3A_49 = arith.constant 2 : i32
      %get3A_50 = arith.index_cast %get3A_49 : i32 to index
      %get3A_51 = arith.constant 0 : index
      %get3A_52 = tpu.vector_load %arg5[%get3A_50, %get3A_51] {strides = array<i32>} : memref<16x16xi32, #tpu.memory_space<vmem>>, vector<1x16xi32>,
      %get3A_53 = vector.shape_cast %get3A_52 : vector<1x16xi32> to vector<16xi32>
      %add3A_54 = arith.constant 2 : i32
      %add3A_55 = arith.addi %add3A_11, %add3A_54 : i32
      %mul3A_56 = arith.constant 2048 : i32
      %mul3A_57 = arith.muli %add3A_55, %mul3A_56 : i32
      %add3A_58 = vector.broadcast %mul3A_57 : i32 to vector<16xi32>
      %add3A_59 = arith.addi %get3A_53, %add3A_58 : vector<16xi32>
      %shift_right_logical3A_60 = arith.constant 4 : i32
      %shift_right_logical3A_61 = vector.broadcast %shift_right_logical3A_60 : i32 to vector<16xi32>
      %shift_right_logical3A_62 = arith.shrui %add3A_59, %shift_right_logical3A_61 : vector<16xi32>
      %dma_start3A_63 = arith.constant 32 : i32
      %dma_start3A_64 = arith.constant 0 : i32
      %dma_start3A_65 = tpu.memref_slice %arg6[%dma_start3A_63, %dma_start3A_64] : memref<256x16xf32, #tpu.memory_space<vmem>> -> memref<16x16xf32, #tpu.memory_space<vmem>>
      %dma_start3A_66 = arith.constant 0 : i32
      %dma_start3A_67 = arith.constant 0 : i32
      %dma_start3A_68 = tpu.memref_slice %arg2[%dma_start3A_66, %dma_start3A_67] : memref<1048576x16xf32, #tpu.memory_space<hbm>> -> memref<1048576x16xf32, #tpu.memory_space<hbm>>
      tpu.enqueue_indirect_dma source(%dma_start3A_68 : memref<1048576x16xf32, #tpu.memory_space<hbm>>) target(%dma_start3A_65 : memref<16x16xf32, #tpu.memory_space<vmem>>) offsets(%shift_right_logical3A_62 : vector<16xi32>) semaphore(%arg7 : memref<!tpu.dma_semaphore, #tpu.memory_space<semaphore_mem>>)
      %get3A_69 = arith.constant 3 : i32
      %get3A_70 = arith.index_cast %get3A_69 : i32 to index
      %get3A_71 = arith.constant 0 : index
      %get3A_72 = tpu.vector_load %arg5[%get3A_70, %get3A_71] {strides = array<i32>} : memref<16x16xi32, #tpu.memory_space<vmem>>, vector<1x16xi32>,
      %get3A_73 = vector.shape_cast %get3A_72 : vector<1x16xi32> to vector<16xi32>
      %add3A_74 = arith.constant 3 : i32
      %add3A_75 = arith.addi %add3A_11, %add3A_74 : i32
      %mul3A_76 = arith.constant 2048 : i32
      %mul3A_77 = arith.muli %add3A_75, %mul3A_76 : i32
      %add3A_78 = vector.broadcast %mul3A_77 : i32 to vector<16xi32>
      %add3A_79 = arith.addi %get3A_73, %add3A_78 : vector<16xi32>
      %shift_right_logical3A_80 = arith.constant 4 : i32
      %shift_right_logical3A_81 = vector.broadcast %shift_right_logical3A_80 : i32 to vector<16xi32>
      %shift_right_logical3A_82 = arith.shrui %add3A_79, %shift_right_logical3A_81 : vector<16xi32>
      %dma_start3A_83 = arith.constant 48 : i32
      %dma_start3A_84 = arith.constant 0 : i32
      %dma_start3A_85 = tpu.memref_slice %arg6[%dma_start3A_83, %dma_start3A_84] : memref<256x16xf32, #tpu.memory_space<vmem>> -> memref<16x16xf32, #tpu.memory_space<vmem>>
      %dma_start3A_86 = arith.constant 0 : i32
      %dma_start3A_87 = arith.constant 0 : i32
      %dma_start3A_88 = tpu.memref_slice %arg2[%dma_start3A_86, %dma_start3A_87] : memref<1048576x16xf32, #tpu.memory_space<hbm>> -> memref<1048576x16xf32, #tpu.memory_space<hbm>>
      tpu.enqueue_indirect_dma source(%dma_start3A_88 : memref<1048576x16xf32, #tpu.memory_space<hbm>>) target(%dma_start3A_85 : memref<16x16xf32, #tpu.memory_space<vmem>>) offsets(%shift_right_logical3A_82 : vector<16xi32>) semaphore(%arg7 : memref<!tpu.dma_semaphore, #tpu.memory_space<semaphore_mem>>)
      %get3A_89 = arith.constant 4 : i32
      %get3A_90 = arith.index_cast %get3A_89 : i32 to index
      %get3A_91 = arith.constant 0 : index
      %get3A_92 = tpu.vector_load %arg5[%get3A_90, %get3A_91] {strides = array<i32>} : memref<16x16xi32, #tpu.memory_space<vmem>>, vector<1x16xi32>,
      %get3A_93 = vector.shape_cast %get3A_92 : vector<1x16xi32> to vector<16xi32>
      %add3A_94 = arith.constant 4 : i32
      %add3A_95 = arith.addi %add3A_11, %add3A_94 : i32
      %mul3A_96 = arith.constant 2048 : i32
      %mul3A_97 = arith.muli %add3A_95, %mul3A_96 : i32
      %add3A_98 = vector.broadcast %mul3A_97 : i32 to vector<16xi32>
      %add3A_99 = arith.addi %get3A_93, %add3A_98 : vector<16xi32>
      %shift_right_logical3A_100 = arith.constant 4 : i32
      %shift_right_logical3A_101 = vector.broadcast %shift_right_logical3A_100 : i32 to vector<16xi32>
      %shift_right_logical3A_102 = arith.shrui %add3A_99, %shift_right_logical3A_101 : vector<16xi32>
      %dma_start3A_103 = arith.constant 64 : i32
      %dma_start3A_104 = arith.constant 0 : i32
      %dma_start3A_105 = tpu.memref_slice %arg6[%dma_start3A_103, %dma_start3A_104] : memref<256x16xf32, #tpu.memory_space<vmem>> -> memref<16x16xf32, #tpu.memory_space<vmem>>
      %dma_start3A_106 = arith.constant 0 : i32
      %dma_start3A_107 = arith.constant 0 : i32
      %dma_start3A_108 = tpu.memref_slice %arg2[%dma_start3A_106, %dma_start3A_107] : memref<1048576x16xf32, #tpu.memory_space<hbm>> -> memref<1048576x16xf32, #tpu.memory_space<hbm>>
      tpu.enqueue_indirect_dma source(%dma_start3A_108 : memref<1048576x16xf32, #tpu.memory_space<hbm>>) target(%dma_start3A_105 : memref<16x16xf32, #tpu.memory_space<vmem>>) offsets(%shift_right_logical3A_102 : vector<16xi32>) semaphore(%arg7 : memref<!tpu.dma_semaphore, #tpu.memory_space<semaphore_mem>>)
      %get3A_109 = arith.constant 5 : i32
      %get3A_110 = arith.index_cast %get3A_109 : i32 to index
      %get3A_111 = arith.constant 0 : index
      %get3A_112 = tpu.vector_load %arg5[%get3A_110, %get3A_111] {strides = array<i32>} : memref<16x16xi32, #tpu.memory_space<vmem>>, vector<1x16xi32>,
      %get3A_113 = vector.shape_cast %get3A_112 : vector<1x16xi32> to vector<16xi32>
      %add3A_114 = arith.constant 5 : i32
      %add3A_115 = arith.addi %add3A_11, %add3A_114 : i32
      %mul3A_116 = arith.constant 2048 : i32
      %mul3A_117 = arith.muli %add3A_115, %mul3A_116 : i32
      %add3A_118 = vector.broadcast %mul3A_117 : i32 to vector<16xi32>
      %add3A_119 = arith.addi %get3A_113, %add3A_118 : vector<16xi32>
      %shift_right_logical3A_120 = arith.constant 4 : i32
      %shift_right_logical3A_121 = vector.broadcast %shift_right_logical3A_120 : i32 to vector<16xi32>
      %shift_right_logical3A_122 = arith.shrui %add3A_119, %shift_right_logical3A_121 : vector<16xi32>
      %dma_start3A_123 = arith.constant 80 : i32
      %dma_start3A_124 = arith.constant 0 : i32
      %dma_start3A_125 = tpu.memref_slice %arg6[%dma_start3A_123, %dma_start3A_124] : memref<256x16xf32, #tpu.memory_space<vmem>> -> memref<16x16xf32, #tpu.memory_space<vmem>>
      %dma_start3A_126 = arith.constant 0 : i32
      %dma_start3A_127 = arith.constant 0 : i32
      %dma_start3A_128 = tpu.memref_slice %arg2[%dma_start3A_126, %dma_start3A_127] : memref<1048576x16xf32, #tpu.memory_space<hbm>> -> memref<1048576x16xf32, #tpu.memory_space<hbm>>
      tpu.enqueue_indirect_dma source(%dma_start3A_128 : memref<1048576x16xf32, #tpu.memory_space<hbm>>) target(%dma_start3A_125 : memref<16x16xf32, #tpu.memory_space<vmem>>) offsets(%shift_right_logical3A_122 : vector<16xi32>) semaphore(%arg7 : memref<!tpu.dma_semaphore, #tpu.memory_space<semaphore_mem>>)
      %get3A_129 = arith.constant 6 : i32
      %get3A_130 = arith.index_cast %get3A_129 : i32 to index
      %get3A_131 = arith.constant 0 : index
      %get3A_132 = tpu.vector_load %arg5[%get3A_130, %get3A_131] {strides = array<i32>} : memref<16x16xi32, #tpu.memory_space<vmem>>, vector<1x16xi32>,
      %get3A_133 = vector.shape_cast %get3A_132 : vector<1x16xi32> to vector<16xi32>
      %add3A_134 = arith.constant 6 : i32
      %add3A_135 = arith.addi %add3A_11, %add3A_134 : i32
      %mul3A_136 = arith.constant 2048 : i32
      %mul3A_137 = arith.muli %add3A_135, %mul3A_136 : i32
      %add3A_138 = vector.broadcast %mul3A_137 : i32 to vector<16xi32>
      %add3A_139 = arith.addi %get3A_133, %add3A_138 : vector<16xi32>
      %shift_right_logical3A_140 = arith.constant 4 : i32
      %shift_right_logical3A_141 = vector.broadcast %shift_right_logical3A_140 : i32 to vector<16xi32>
      %shift_right_logical3A_142 = arith.shrui %add3A_139, %shift_right_logical3A_141 : vector<16xi32>
      %dma_start3A_143 = arith.constant 96 : i32
      %dma_start3A_144 = arith.constant 0 : i32
      %dma_start3A_145 = tpu.memref_slice %arg6[%dma_start3A_143, %dma_start3A_144] : memref<256x16xf32, #tpu.memory_space<vmem>> -> memref<16x16xf32, #tpu.memory_space<vmem>>
      %dma_start3A_146 = arith.constant 0 : i32
      %dma_start3A_147 = arith.constant 0 : i32
      %dma_start3A_148 = tpu.memref_slice %arg2[%dma_start3A_146, %dma_start3A_147] : memref<1048576x16xf32, #tpu.memory_space<hbm>> -> memref<1048576x16xf32, #tpu.memory_space<hbm>>
      tpu.enqueue_indirect_dma source(%dma_start3A_148 : memref<1048576x16xf32, #tpu.memory_space<hbm>>) target(%dma_start3A_145 : memref<16x16xf32, #tpu.memory_space<vmem>>) offsets(%shift_right_logical3A_142 : vector<16xi32>) semaphore(%arg7 : memref<!tpu.dma_semaphore, #tpu.memory_space<semaphore_mem>>)
      %get3A_149 = arith.constant 7 : i32
      %get3A_150 = arith.index_cast %get3A_149 : i32 to index
      %get3A_151 = arith.constant 0 : index
      %get3A_152 = tpu.vector_load %arg5[%get3A_150, %get3A_151] {strides = array<i32>} : memref<16x16xi32, #tpu.memory_space<vmem>>, vector<1x16xi32>,
      %get3A_153 = vector.shape_cast %get3A_152 : vector<1x16xi32> to vector<16xi32>
      %add3A_154 = arith.constant 7 : i32
      %add3A_155 = arith.addi %add3A_11, %add3A_154 : i32
      %mul3A_156 = arith.constant 2048 : i32
      %mul3A_157 = arith.muli %add3A_155, %mul3A_156 : i32
      %add3A_158 = vector.broadcast %mul3A_157 : i32 to vector<16xi32>
      %add3A_159 = arith.addi %get3A_153, %add3A_158 : vector<16xi32>
      %shift_right_logical3A_160 = arith.constant 4 : i32
      %shift_right_logical3A_161 = vector.broadcast %shift_right_logical3A_160 : i32 to vector<16xi32>
      %shift_right_logical3A_162 = arith.shrui %add3A_159, %shift_right_logical3A_161 : vector<16xi32>
      %dma_start3A_163 = arith.constant 112 : i32
      %dma_start3A_164 = arith.constant 0 : i32
      %dma_start3A_165 = tpu.memref_slice %arg6[%dma_start3A_163, %dma_start3A_164] : memref<256x16xf32, #tpu.memory_space<vmem>> -> memref<16x16xf32, #tpu.memory_space<vmem>>
      %dma_start3A_166 = arith.constant 0 : i32
      %dma_start3A_167 = arith.constant 0 : i32
      %dma_start3A_168 = tpu.memref_slice %arg2[%dma_start3A_166, %dma_start3A_167] : memref<1048576x16xf32, #tpu.memory_space<hbm>> -> memref<1048576x16xf32, #tpu.memory_space<hbm>>
      tpu.enqueue_indirect_dma source(%dma_start3A_168 : memref<1048576x16xf32, #tpu.memory_space<hbm>>) target(%dma_start3A_165 : memref<16x16xf32, #tpu.memory_space<vmem>>) offsets(%shift_right_logical3A_162 : vector<16xi32>) semaphore(%arg7 : memref<!tpu.dma_semaphore, #tpu.memory_space<semaphore_mem>>)
      %get3A_169 = arith.constant 8 : i32
      %get3A_170 = arith.index_cast %get3A_169 : i32 to index
      %get3A_171 = arith.constant 0 : index
      %get3A_172 = tpu.vector_load %arg5[%get3A_170, %get3A_171] {strides = array<i32>} : memref<16x16xi32, #tpu.memory_space<vmem>>, vector<1x16xi32>,
      %get3A_173 = vector.shape_cast %get3A_172 : vector<1x16xi32> to vector<16xi32>
      %add3A_174 = arith.constant 8 : i32
      %add3A_175 = arith.addi %add3A_11, %add3A_174 : i32
      %mul3A_176 = arith.constant 2048 : i32
      %mul3A_177 = arith.muli %add3A_175, %mul3A_176 : i32
      %add3A_178 = vector.broadcast %mul3A_177 : i32 to vector<16xi32>
      %add3A_179 = arith.addi %get3A_173, %add3A_178 : vector<16xi32>
      %shift_right_logical3A_180 = arith.constant 4 : i32
      %shift_right_logical3A_181 = vector.broadcast %shift_right_logical3A_180 : i32 to vector<16xi32>
      %shift_right_logical3A_182 = arith.shrui %add3A_179, %shift_right_logical3A_181 : vector<16xi32>
      %dma_start3A_183 = arith.constant 128 : i32
      %dma_start3A_184 = arith.constant 0 : i32
      %dma_start3A_185 = tpu.memref_slice %arg6[%dma_start3A_183, %dma_start3A_184] : memref<256x16xf32, #tpu.memory_space<vmem>> -> memref<16x16xf32, #tpu.memory_space<vmem>>
      %dma_start3A_186 = arith.constant 0 : i32
      %dma_start3A_187 = arith.constant 0 : i32
      %dma_start3A_188 = tpu.memref_slice %arg2[%dma_start3A_186, %dma_start3A_187] : memref<1048576x16xf32, #tpu.memory_space<hbm>> -> memref<1048576x16xf32, #tpu.memory_space<hbm>>
      tpu.enqueue_indirect_dma source(%dma_start3A_188 : memref<1048576x16xf32, #tpu.memory_space<hbm>>) target(%dma_start3A_185 : memref<16x16xf32, #tpu.memory_space<vmem>>) offsets(%shift_right_logical3A_182 : vector<16xi32>) semaphore(%arg7 : memref<!tpu.dma_semaphore, #tpu.memory_space<semaphore_mem>>)
      %get3A_189 = arith.constant 9 : i32
      %get3A_190 = arith.index_cast %get3A_189 : i32 to index
      %get3A_191 = arith.constant 0 : index
      %get3A_192 = tpu.vector_load %arg5[%get3A_190, %get3A_191] {strides = array<i32>} : memref<16x16xi32, #tpu.memory_space<vmem>>, vector<1x16xi32>,
      %get3A_193 = vector.shape_cast %get3A_192 : vector<1x16xi32> to vector<16xi32>
      %add3A_194 = arith.constant 9 : i32
      %add3A_195 = arith.addi %add3A_11, %add3A_194 : i32
      %mul3A_196 = arith.constant 2048 : i32
      %mul3A_197 = arith.muli %add3A_195, %mul3A_196 : i32
      %add3A_198 = vector.broadcast %mul3A_197 : i32 to vector<16xi32>
      %add3A_199 = arith.addi %get3A_193, %add3A_198 : vector<16xi32>
      %shift_right_logical3A_200 = arith.constant 4 : i32
      %shift_right_logical3A_201 = vector.broadcast %shift_right_logical3A_200 : i32 to vector<16xi32>
      %shift_right_logical3A_202 = arith.shrui %add3A_199, %shift_right_logical3A_201 : vector<16xi32>
      %dma_start3A_203 = arith.constant 144 : i32
      %dma_start3A_204 = arith.constant 0 : i32
      %dma_start3A_205 = tpu.memref_slice %arg6[%dma_start3A_203, %dma_start3A_204] : memref<256x16xf32, #tpu.memory_space<vmem>> -> memref<16x16xf32, #tpu.memory_space<vmem>>
      %dma_start3A_206 = arith.constant 0 : i32
      %dma_start3A_207 = arith.constant 0 : i32
      %dma_start3A_208 = tpu.memref_slice %arg2[%dma_start3A_206, %dma_start3A_207] : memref<1048576x16xf32, #tpu.memory_space<hbm>> -> memref<1048576x16xf32, #tpu.memory_space<hbm>>
      tpu.enqueue_indirect_dma source(%dma_start3A_208 : memref<1048576x16xf32, #tpu.memory_space<hbm>>) target(%dma_start3A_205 : memref<16x16xf32, #tpu.memory_space<vmem>>) offsets(%shift_right_logical3A_202 : vector<16xi32>) semaphore(%arg7 : memref<!tpu.dma_semaphore, #tpu.memory_space<semaphore_mem>>)
      %get3A_209 = arith.constant 10 : i32
      %get3A_210 = arith.index_cast %get3A_209 : i32 to index
      %get3A_211 = arith.constant 0 : index
      %get3A_212 = tpu.vector_load %arg5[%get3A_210, %get3A_211] {strides = array<i32>} : memref<16x16xi32, #tpu.memory_space<vmem>>, vector<1x16xi32>,
      %get3A_213 = vector.shape_cast %get3A_212 : vector<1x16xi32> to vector<16xi32>
      %add3A_214 = arith.constant 10 : i32
      %add3A_215 = arith.addi %add3A_11, %add3A_214 : i32
      %mul3A_216 = arith.constant 2048 : i32
      %mul3A_217 = arith.muli %add3A_215, %mul3A_216 : i32
      %add3A_218 = vector.broadcast %mul3A_217 : i32 to vector<16xi32>
      %add3A_219 = arith.addi %get3A_213, %add3A_218 : vector<16xi32>
      %shift_right_logical3A_220 = arith.constant 4 : i32
      %shift_right_logical3A_221 = vector.broadcast %shift_right_logical3A_220 : i32 to vector<16xi32>
      %shift_right_logical3A_222 = arith.shrui %add3A_219, %shift_right_logical3A_221 : vector<16xi32>
      %dma_start3A_223 = arith.constant 160 : i32
      %dma_start3A_224 = arith.constant 0 : i32
      %dma_start3A_225 = tpu.memref_slice %arg6[%dma_start3A_223, %dma_start3A_224] : memref<256x16xf32, #tpu.memory_space<vmem>> -> memref<16x16xf32, #tpu.memory_space<vmem>>
      %dma_start3A_226 = arith.constant 0 : i32
      %dma_start3A_227 = arith.constant 0 : i32
      %dma_start3A_228 = tpu.memref_slice %arg2[%dma_start3A_226, %dma_start3A_227] : memref<1048576x16xf32, #tpu.memory_space<hbm>> -> memref<1048576x16xf32, #tpu.memory_space<hbm>>
      tpu.enqueue_indirect_dma source(%dma_start3A_228 : memref<1048576x16xf32, #tpu.memory_space<hbm>>) target(%dma_start3A_225 : memref<16x16xf32, #tpu.memory_space<vmem>>) offsets(%shift_right_logical3A_222 : vector<16xi32>) semaphore(%arg7 : memref<!tpu.dma_semaphore, #tpu.memory_space<semaphore_mem>>)
      %get3A_229 = arith.constant 11 : i32
      %get3A_230 = arith.index_cast %get3A_229 : i32 to index
      %get3A_231 = arith.constant 0 : index
      %get3A_232 = tpu.vector_load %arg5[%get3A_230, %get3A_231] {strides = array<i32>} : memref<16x16xi32, #tpu.memory_space<vmem>>, vector<1x16xi32>,
      %get3A_233 = vector.shape_cast %get3A_232 : vector<1x16xi32> to vector<16xi32>
      %add3A_234 = arith.constant 11 : i32
      %add3A_235 = arith.addi %add3A_11, %add3A_234 : i32
      %mul3A_236 = arith.constant 2048 : i32
      %mul3A_237 = arith.muli %add3A_235, %mul3A_236 : i32
      %add3A_238 = vector.broadcast %mul3A_237 : i32 to vector<16xi32>
      %add3A_239 = arith.addi %get3A_233, %add3A_238 : vector<16xi32>
      %shift_right_logical3A_240 = arith.constant 4 : i32
      %shift_right_logical3A_241 = vector.broadcast %shift_right_logical3A_240 : i32 to vector<16xi32>
      %shift_right_logical3A_242 = arith.shrui %add3A_239, %shift_right_logical3A_241 : vector<16xi32>
      %dma_start3A_243 = arith.constant 176 : i32
      %dma_start3A_244 = arith.constant 0 : i32
      %dma_start3A_245 = tpu.memref_slice %arg6[%dma_start3A_243, %dma_start3A_244] : memref<256x16xf32, #tpu.memory_space<vmem>> -> memref<16x16xf32, #tpu.memory_space<vmem>>
      %dma_start3A_246 = arith.constant 0 : i32
      %dma_start3A_247 = arith.constant 0 : i32
      %dma_start3A_248 = tpu.memref_slice %arg2[%dma_start3A_246, %dma_start3A_247] : memref<1048576x16xf32, #tpu.memory_space<hbm>> -> memref<1048576x16xf32, #tpu.memory_space<hbm>>
      tpu.enqueue_indirect_dma source(%dma_start3A_248 : memref<1048576x16xf32, #tpu.memory_space<hbm>>) target(%dma_start3A_245 : memref<16x16xf32, #tpu.memory_space<vmem>>) offsets(%shift_right_logical3A_242 : vector<16xi32>) semaphore(%arg7 : memref<!tpu.dma_semaphore, #tpu.memory_space<semaphore_mem>>)
      %get3A_249 = arith.constant 12 : i32
      %get3A_250 = arith.index_cast %get3A_249 : i32 to index
      %get3A_251 = arith.constant 0 : index
      %get3A_252 = tpu.vector_load %arg5[%get3A_250, %get3A_251] {strides = array<i32>} : memref<16x16xi32, #tpu.memory_space<vmem>>, vector<1x16xi32>,
      %get3A_253 = vector.shape_cast %get3A_252 : vector<1x16xi32> to vector<16xi32>
      %add3A_254 = arith.constant 12 : i32
      %add3A_255 = arith.addi %add3A_11, %add3A_254 : i32
      %mul3A_256 = arith.constant 2048 : i32
      %mul3A_257 = arith.muli %add3A_255, %mul3A_256 : i32
      %add3A_258 = vector.broadcast %mul3A_257 : i32 to vector<16xi32>
      %add3A_259 = arith.addi %get3A_253, %add3A_258 : vector<16xi32>
      %shift_right_logical3A_260 = arith.constant 4 : i32
      %shift_right_logical3A_261 = vector.broadcast %shift_right_logical3A_260 : i32 to vector<16xi32>
      %shift_right_logical3A_262 = arith.shrui %add3A_259, %shift_right_logical3A_261 : vector<16xi32>
      %dma_start3A_263 = arith.constant 192 : i32
      %dma_start3A_264 = arith.constant 0 : i32
      %dma_start3A_265 = tpu.memref_slice %arg6[%dma_start3A_263, %dma_start3A_264] : memref<256x16xf32, #tpu.memory_space<vmem>> -> memref<16x16xf32, #tpu.memory_space<vmem>>
      %dma_start3A_266 = arith.constant 0 : i32
      %dma_start3A_267 = arith.constant 0 : i32
      %dma_start3A_268 = tpu.memref_slice %arg2[%dma_start3A_266, %dma_start3A_267] : memref<1048576x16xf32, #tpu.memory_space<hbm>> -> memref<1048576x16xf32, #tpu.memory_space<hbm>>
      tpu.enqueue_indirect_dma source(%dma_start3A_268 : memref<1048576x16xf32, #tpu.memory_space<hbm>>) target(%dma_start3A_265 : memref<16x16xf32, #tpu.memory_space<vmem>>) offsets(%shift_right_logical3A_262 : vector<16xi32>) semaphore(%arg7 : memref<!tpu.dma_semaphore, #tpu.memory_space<semaphore_mem>>)
      %get3A_269 = arith.constant 13 : i32
      %get3A_270 = arith.index_cast %get3A_269 : i32 to index
      %get3A_271 = arith.constant 0 : index
      %get3A_272 = tpu.vector_load %arg5[%get3A_270, %get3A_271] {strides = array<i32>} : memref<16x16xi32, #tpu.memory_space<vmem>>, vector<1x16xi32>,
      %get3A_273 = vector.shape_cast %get3A_272 : vector<1x16xi32> to vector<16xi32>
      %add3A_274 = arith.constant 13 : i32
      %add3A_275 = arith.addi %add3A_11, %add3A_274 : i32
      %mul3A_276 = arith.constant 2048 : i32
      %mul3A_277 = arith.muli %add3A_275, %mul3A_276 : i32
      %add3A_278 = vector.broadcast %mul3A_277 : i32 to vector<16xi32>
      %add3A_279 = arith.addi %get3A_273, %add3A_278 : vector<16xi32>
      %shift_right_logical3A_280 = arith.constant 4 : i32
      %shift_right_logical3A_281 = vector.broadcast %shift_right_logical3A_280 : i32 to vector<16xi32>
      %shift_right_logical3A_282 = arith.shrui %add3A_279, %shift_right_logical3A_281 : vector<16xi32>
      %dma_start3A_283 = arith.constant 208 : i32
      %dma_start3A_284 = arith.constant 0 : i32
      %dma_start3A_285 = tpu.memref_slice %arg6[%dma_start3A_283, %dma_start3A_284] : memref<256x16xf32, #tpu.memory_space<vmem>> -> memref<16x16xf32, #tpu.memory_space<vmem>>
      %dma_start3A_286 = arith.constant 0 : i32
      %dma_start3A_287 = arith.constant 0 : i32
      %dma_start3A_288 = tpu.memref_slice %arg2[%dma_start3A_286, %dma_start3A_287] : memref<1048576x16xf32, #tpu.memory_space<hbm>> -> memref<1048576x16xf32, #tpu.memory_space<hbm>>
      tpu.enqueue_indirect_dma source(%dma_start3A_288 : memref<1048576x16xf32, #tpu.memory_space<hbm>>) target(%dma_start3A_285 : memref<16x16xf32, #tpu.memory_space<vmem>>) offsets(%shift_right_logical3A_282 : vector<16xi32>) semaphore(%arg7 : memref<!tpu.dma_semaphore, #tpu.memory_space<semaphore_mem>>)
      %get3A_289 = arith.constant 14 : i32
      %get3A_290 = arith.index_cast %get3A_289 : i32 to index
      %get3A_291 = arith.constant 0 : index
      %get3A_292 = tpu.vector_load %arg5[%get3A_290, %get3A_291] {strides = array<i32>} : memref<16x16xi32, #tpu.memory_space<vmem>>, vector<1x16xi32>,
      %get3A_293 = vector.shape_cast %get3A_292 : vector<1x16xi32> to vector<16xi32>
      %add3A_294 = arith.constant 14 : i32
      %add3A_295 = arith.addi %add3A_11, %add3A_294 : i32
      %mul3A_296 = arith.constant 2048 : i32
      %mul3A_297 = arith.muli %add3A_295, %mul3A_296 : i32
      %add3A_298 = vector.broadcast %mul3A_297 : i32 to vector<16xi32>
      %add3A_299 = arith.addi %get3A_293, %add3A_298 : vector<16xi32>
      %shift_right_logical3A_300 = arith.constant 4 : i32
      %shift_right_logical3A_301 = vector.broadcast %shift_right_logical3A_300 : i32 to vector<16xi32>
      %shift_right_logical3A_302 = arith.shrui %add3A_299, %shift_right_logical3A_301 : vector<16xi32>
      %dma_start3A_303 = arith.constant 224 : i32
      %dma_start3A_304 = arith.constant 0 : i32
      %dma_start3A_305 = tpu.memref_slice %arg6[%dma_start3A_303, %dma_start3A_304] : memref<256x16xf32, #tpu.memory_space<vmem>> -> memref<16x16xf32, #tpu.memory_space<vmem>>
      %dma_start3A_306 = arith.constant 0 : i32
      %dma_start3A_307 = arith.constant 0 : i32
      %dma_start3A_308 = tpu.memref_slice %arg2[%dma_start3A_306, %dma_start3A_307] : memref<1048576x16xf32, #tpu.memory_space<hbm>> -> memref<1048576x16xf32, #tpu.memory_space<hbm>>
      tpu.enqueue_indirect_dma source(%dma_start3A_308 : memref<1048576x16xf32, #tpu.memory_space<hbm>>) target(%dma_start3A_305 : memref<16x16xf32, #tpu.memory_space<vmem>>) offsets(%shift_right_logical3A_302 : vector<16xi32>) semaphore(%arg7 : memref<!tpu.dma_semaphore, #tpu.memory_space<semaphore_mem>>)
      %get3A_309 = arith.constant 15 : i32
      %get3A_310 = arith.index_cast %get3A_309 : i32 to index
      %get3A_311 = arith.constant 0 : index
      %get3A_312 = tpu.vector_load %arg5[%get3A_310, %get3A_311] {strides = array<i32>} : memref<16x16xi32, #tpu.memory_space<vmem>>, vector<1x16xi32>,
      %get3A_313 = vector.shape_cast %get3A_312 : vector<1x16xi32> to vector<16xi32>
      %add3A_314 = arith.constant 15 : i32
      %add3A_315 = arith.addi %add3A_11, %add3A_314 : i32
      %mul3A_316 = arith.constant 2048 : i32
      %mul3A_317 = arith.muli %add3A_315, %mul3A_316 : i32
      %add3A_318 = vector.broadcast %mul3A_317 : i32 to vector<16xi32>
      %add3A_319 = arith.addi %get3A_313, %add3A_318 : vector<16xi32>
      %shift_right_logical3A_320 = arith.constant 4 : i32
      %shift_right_logical3A_321 = vector.broadcast %shift_right_logical3A_320 : i32 to vector<16xi32>
      %shift_right_logical3A_322 = arith.shrui %add3A_319, %shift_right_logical3A_321 : vector<16xi32>
      %dma_start3A_323 = arith.constant 240 : i32
      %dma_start3A_324 = arith.constant 0 : i32
      %dma_start3A_325 = tpu.memref_slice %arg6[%dma_start3A_323, %dma_start3A_324] : memref<256x16xf32, #tpu.memory_space<vmem>> -> memref<16x16xf32, #tpu.memory_space<vmem>>
      %dma_start3A_326 = arith.constant 0 : i32
      %dma_start3A_327 = arith.constant 0 : i32
      %dma_start3A_328 = tpu.memref_slice %arg2[%dma_start3A_326, %dma_start3A_327] : memref<1048576x16xf32, #tpu.memory_space<hbm>> -> memref<1048576x16xf32, #tpu.memory_space<hbm>>
      tpu.enqueue_indirect_dma source(%dma_start3A_328 : memref<1048576x16xf32, #tpu.memory_space<hbm>>) target(%dma_start3A_325 : memref<16x16xf32, #tpu.memory_space<vmem>>) offsets(%shift_right_logical3A_322 : vector<16xi32>) semaphore(%arg7 : memref<!tpu.dma_semaphore, #tpu.memory_space<semaphore_mem>>)
      %dma_wait3A = arith.constant 0 : i32
      %dma_wait3A_329 = arith.constant 0 : i32
      %dma_wait3A_330 = tpu.memref_slice %arg6[%dma_wait3A, %dma_wait3A_329] : memref<256x16xf32, #tpu.memory_space<vmem>> -> memref<16x16xf32, #tpu.memory_space<vmem>>
      %dma_wait3A_331 = arith.constant 0 : i32
      %dma_wait3A_332 = arith.constant 0 : i32
      %dma_wait3A_333 = tpu.memref_slice %arg2[%dma_wait3A_331, %dma_wait3A_332] : memref<1048576x16xf32, #tpu.memory_space<hbm>> -> memref<1048576x16xf32, #tpu.memory_space<hbm>>
      tpu.wait_indirect_dma semaphore(%arg7 : memref<!tpu.dma_semaphore, #tpu.memory_space<semaphore_mem>>) src(%dma_wait3A_333 : memref<1048576x16xf32, #tpu.memory_space<hbm>>) dst(%dma_wait3A_330 : memref<16x16xf32, #tpu.memory_space<vmem>>)
      %dma_wait3A_334 = arith.constant 16 : i32
      %dma_wait3A_335 = arith.constant 0 : i32
      %dma_wait3A_336 = tpu.memref_slice %arg6[%dma_wait3A_334, %dma_wait3A_335] : memref<256x16xf32, #tpu.memory_space<vmem>> -> memref<16x16xf32, #tpu.memory_space<vmem>>
      %dma_wait3A_337 = arith.constant 0 : i32
      %dma_wait3A_338 = arith.constant 0 : i32
      %dma_wait3A_339 = tpu.memref_slice %arg2[%dma_wait3A_337, %dma_wait3A_338] : memref<1048576x16xf32, #tpu.memory_space<hbm>> -> memref<1048576x16xf32, #tpu.memory_space<hbm>>
      tpu.wait_indirect_dma semaphore(%arg7 : memref<!tpu.dma_semaphore, #tpu.memory_space<semaphore_mem>>) src(%dma_wait3A_339 : memref<1048576x16xf32, #tpu.memory_space<hbm>>) dst(%dma_wait3A_336 : memref<16x16xf32, #tpu.memory_space<vmem>>)
      %dma_wait3A_340 = arith.constant 32 : i32
      %dma_wait3A_341 = arith.constant 0 : i32
      %dma_wait3A_342 = tpu.memref_slice %arg6[%dma_wait3A_340, %dma_wait3A_341] : memref<256x16xf32, #tpu.memory_space<vmem>> -> memref<16x16xf32, #tpu.memory_space<vmem>>
      %dma_wait3A_343 = arith.constant 0 : i32
      %dma_wait3A_344 = arith.constant 0 : i32
      %dma_wait3A_345 = tpu.memref_slice %arg2[%dma_wait3A_343, %dma_wait3A_344] : memref<1048576x16xf32, #tpu.memory_space<hbm>> -> memref<1048576x16xf32, #tpu.memory_space<hbm>>
      tpu.wait_indirect_dma semaphore(%arg7 : memref<!tpu.dma_semaphore, #tpu.memory_space<semaphore_mem>>) src(%dma_wait3A_345 : memref<1048576x16xf32, #tpu.memory_space<hbm>>) dst(%dma_wait3A_342 : memref<16x16xf32, #tpu.memory_space<vmem>>)
      %dma_wait3A_346 = arith.constant 48 : i32
      %dma_wait3A_347 = arith.constant 0 : i32
      %dma_wait3A_348 = tpu.memref_slice %arg6[%dma_wait3A_346, %dma_wait3A_347] : memref<256x16xf32, #tpu.memory_space<vmem>> -> memref<16x16xf32, #tpu.memory_space<vmem>>
      %dma_wait3A_349 = arith.constant 0 : i32
      %dma_wait3A_350 = arith.constant 0 : i32
      %dma_wait3A_351 = tpu.memref_slice %arg2[%dma_wait3A_349, %dma_wait3A_350] : memref<1048576x16xf32, #tpu.memory_space<hbm>> -> memref<1048576x16xf32, #tpu.memory_space<hbm>>
      tpu.wait_indirect_dma semaphore(%arg7 : memref<!tpu.dma_semaphore, #tpu.memory_space<semaphore_mem>>) src(%dma_wait3A_351 : memref<1048576x16xf32, #tpu.memory_space<hbm>>) dst(%dma_wait3A_348 : memref<16x16xf32, #tpu.memory_space<vmem>>)
      %dma_wait3A_352 = arith.constant 64 : i32
      %dma_wait3A_353 = arith.constant 0 : i32
      %dma_wait3A_354 = tpu.memref_slice %arg6[%dma_wait3A_352, %dma_wait3A_353] : memref<256x16xf32, #tpu.memory_space<vmem>> -> memref<16x16xf32, #tpu.memory_space<vmem>>
      %dma_wait3A_355 = arith.constant 0 : i32
      %dma_wait3A_356 = arith.constant 0 : i32
      %dma_wait3A_357 = tpu.memref_slice %arg2[%dma_wait3A_355, %dma_wait3A_356] : memref<1048576x16xf32, #tpu.memory_space<hbm>> -> memref<1048576x16xf32, #tpu.memory_space<hbm>>
      tpu.wait_indirect_dma semaphore(%arg7 : memref<!tpu.dma_semaphore, #tpu.memory_space<semaphore_mem>>) src(%dma_wait3A_357 : memref<1048576x16xf32, #tpu.memory_space<hbm>>) dst(%dma_wait3A_354 : memref<16x16xf32, #tpu.memory_space<vmem>>)
      %dma_wait3A_358 = arith.constant 80 : i32
      %dma_wait3A_359 = arith.constant 0 : i32
      %dma_wait3A_360 = tpu.memref_slice %arg6[%dma_wait3A_358, %dma_wait3A_359] : memref<256x16xf32, #tpu.memory_space<vmem>> -> memref<16x16xf32, #tpu.memory_space<vmem>>
      %dma_wait3A_361 = arith.constant 0 : i32
      %dma_wait3A_362 = arith.constant 0 : i32
      %dma_wait3A_363 = tpu.memref_slice %arg2[%dma_wait3A_361, %dma_wait3A_362] : memref<1048576x16xf32, #tpu.memory_space<hbm>> -> memref<1048576x16xf32, #tpu.memory_space<hbm>>
      tpu.wait_indirect_dma semaphore(%arg7 : memref<!tpu.dma_semaphore, #tpu.memory_space<semaphore_mem>>) src(%dma_wait3A_363 : memref<1048576x16xf32, #tpu.memory_space<hbm>>) dst(%dma_wait3A_360 : memref<16x16xf32, #tpu.memory_space<vmem>>)
      %dma_wait3A_364 = arith.constant 96 : i32
      %dma_wait3A_365 = arith.constant 0 : i32
      %dma_wait3A_366 = tpu.memref_slice %arg6[%dma_wait3A_364, %dma_wait3A_365] : memref<256x16xf32, #tpu.memory_space<vmem>> -> memref<16x16xf32, #tpu.memory_space<vmem>>
      %dma_wait3A_367 = arith.constant 0 : i32
      %dma_wait3A_368 = arith.constant 0 : i32
      %dma_wait3A_369 = tpu.memref_slice %arg2[%dma_wait3A_367, %dma_wait3A_368] : memref<1048576x16xf32, #tpu.memory_space<hbm>> -> memref<1048576x16xf32, #tpu.memory_space<hbm>>
      tpu.wait_indirect_dma semaphore(%arg7 : memref<!tpu.dma_semaphore, #tpu.memory_space<semaphore_mem>>) src(%dma_wait3A_369 : memref<1048576x16xf32, #tpu.memory_space<hbm>>) dst(%dma_wait3A_366 : memref<16x16xf32, #tpu.memory_space<vmem>>)
      %dma_wait3A_370 = arith.constant 112 : i32
      %dma_wait3A_371 = arith.constant 0 : i32
      %dma_wait3A_372 = tpu.memref_slice %arg6[%dma_wait3A_370, %dma_wait3A_371] : memref<256x16xf32, #tpu.memory_space<vmem>> -> memref<16x16xf32, #tpu.memory_space<vmem>>
      %dma_wait3A_373 = arith.constant 0 : i32
      %dma_wait3A_374 = arith.constant 0 : i32
      %dma_wait3A_375 = tpu.memref_slice %arg2[%dma_wait3A_373, %dma_wait3A_374] : memref<1048576x16xf32, #tpu.memory_space<hbm>> -> memref<1048576x16xf32, #tpu.memory_space<hbm>>
      tpu.wait_indirect_dma semaphore(%arg7 : memref<!tpu.dma_semaphore, #tpu.memory_space<semaphore_mem>>) src(%dma_wait3A_375 : memref<1048576x16xf32, #tpu.memory_space<hbm>>) dst(%dma_wait3A_372 : memref<16x16xf32, #tpu.memory_space<vmem>>)
      %dma_wait3A_376 = arith.constant 128 : i32
      %dma_wait3A_377 = arith.constant 0 : i32
      %dma_wait3A_378 = tpu.memref_slice %arg6[%dma_wait3A_376, %dma_wait3A_377] : memref<256x16xf32, #tpu.memory_space<vmem>> -> memref<16x16xf32, #tpu.memory_space<vmem>>
      %dma_wait3A_379 = arith.constant 0 : i32
      %dma_wait3A_380 = arith.constant 0 : i32
      %dma_wait3A_381 = tpu.memref_slice %arg2[%dma_wait3A_379, %dma_wait3A_380] : memref<1048576x16xf32, #tpu.memory_space<hbm>> -> memref<1048576x16xf32, #tpu.memory_space<hbm>>
      tpu.wait_indirect_dma semaphore(%arg7 : memref<!tpu.dma_semaphore, #tpu.memory_space<semaphore_mem>>) src(%dma_wait3A_381 : memref<1048576x16xf32, #tpu.memory_space<hbm>>) dst(%dma_wait3A_378 : memref<16x16xf32, #tpu.memory_space<vmem>>)
      %dma_wait3A_382 = arith.constant 144 : i32
      %dma_wait3A_383 = arith.constant 0 : i32
      %dma_wait3A_384 = tpu.memref_slice %arg6[%dma_wait3A_382, %dma_wait3A_383] : memref<256x16xf32, #tpu.memory_space<vmem>> -> memref<16x16xf32, #tpu.memory_space<vmem>>
      %dma_wait3A_385 = arith.constant 0 : i32
      %dma_wait3A_386 = arith.constant 0 : i32
      %dma_wait3A_387 = tpu.memref_slice %arg2[%dma_wait3A_385, %dma_wait3A_386] : memref<1048576x16xf32, #tpu.memory_space<hbm>> -> memref<1048576x16xf32, #tpu.memory_space<hbm>>
      tpu.wait_indirect_dma semaphore(%arg7 : memref<!tpu.dma_semaphore, #tpu.memory_space<semaphore_mem>>) src(%dma_wait3A_387 : memref<1048576x16xf32, #tpu.memory_space<hbm>>) dst(%dma_wait3A_384 : memref<16x16xf32, #tpu.memory_space<vmem>>)
      %dma_wait3A_388 = arith.constant 160 : i32
      %dma_wait3A_389 = arith.constant 0 : i32
      %dma_wait3A_390 = tpu.memref_slice %arg6[%dma_wait3A_388, %dma_wait3A_389] : memref<256x16xf32, #tpu.memory_space<vmem>> -> memref<16x16xf32, #tpu.memory_space<vmem>>
      %dma_wait3A_391 = arith.constant 0 : i32
      %dma_wait3A_392 = arith.constant 0 : i32
      %dma_wait3A_393 = tpu.memref_slice %arg2[%dma_wait3A_391, %dma_wait3A_392] : memref<1048576x16xf32, #tpu.memory_space<hbm>> -> memref<1048576x16xf32, #tpu.memory_space<hbm>>
      tpu.wait_indirect_dma semaphore(%arg7 : memref<!tpu.dma_semaphore, #tpu.memory_space<semaphore_mem>>) src(%dma_wait3A_393 : memref<1048576x16xf32, #tpu.memory_space<hbm>>) dst(%dma_wait3A_390 : memref<16x16xf32, #tpu.memory_space<vmem>>)
      %dma_wait3A_394 = arith.constant 176 : i32
      %dma_wait3A_395 = arith.constant 0 : i32
      %dma_wait3A_396 = tpu.memref_slice %arg6[%dma_wait3A_394, %dma_wait3A_395] : memref<256x16xf32, #tpu.memory_space<vmem>> -> memref<16x16xf32, #tpu.memory_space<vmem>>
      %dma_wait3A_397 = arith.constant 0 : i32
      %dma_wait3A_398 = arith.constant 0 : i32
      %dma_wait3A_399 = tpu.memref_slice %arg2[%dma_wait3A_397, %dma_wait3A_398] : memref<1048576x16xf32, #tpu.memory_space<hbm>> -> memref<1048576x16xf32, #tpu.memory_space<hbm>>
      tpu.wait_indirect_dma semaphore(%arg7 : memref<!tpu.dma_semaphore, #tpu.memory_space<semaphore_mem>>) src(%dma_wait3A_399 : memref<1048576x16xf32, #tpu.memory_space<hbm>>) dst(%dma_wait3A_396 : memref<16x16xf32, #tpu.memory_space<vmem>>)
      %dma_wait3A_400 = arith.constant 192 : i32
      %dma_wait3A_401 = arith.constant 0 : i32
      %dma_wait3A_402 = tpu.memref_slice %arg6[%dma_wait3A_400, %dma_wait3A_401] : memref<256x16xf32, #tpu.memory_space<vmem>> -> memref<16x16xf32, #tpu.memory_space<vmem>>
      %dma_wait3A_403 = arith.constant 0 : i32
      %dma_wait3A_404 = arith.constant 0 : i32
      %dma_wait3A_405 = tpu.memref_slice %arg2[%dma_wait3A_403, %dma_wait3A_404] : memref<1048576x16xf32, #tpu.memory_space<hbm>> -> memref<1048576x16xf32, #tpu.memory_space<hbm>>
      tpu.wait_indirect_dma semaphore(%arg7 : memref<!tpu.dma_semaphore, #tpu.memory_space<semaphore_mem>>) src(%dma_wait3A_405 : memref<1048576x16xf32, #tpu.memory_space<hbm>>) dst(%dma_wait3A_402 : memref<16x16xf32, #tpu.memory_space<vmem>>)
      %dma_wait3A_406 = arith.constant 208 : i32
      %dma_wait3A_407 = arith.constant 0 : i32
      %dma_wait3A_408 = tpu.memref_slice %arg6[%dma_wait3A_406, %dma_wait3A_407] : memref<256x16xf32, #tpu.memory_space<vmem>> -> memref<16x16xf32, #tpu.memory_space<vmem>>
      %dma_wait3A_409 = arith.constant 0 : i32
      %dma_wait3A_410 = arith.constant 0 : i32
      %dma_wait3A_411 = tpu.memref_slice %arg2[%dma_wait3A_409, %dma_wait3A_410] : memref<1048576x16xf32, #tpu.memory_space<hbm>> -> memref<1048576x16xf32, #tpu.memory_space<hbm>>
      tpu.wait_indirect_dma semaphore(%arg7 : memref<!tpu.dma_semaphore, #tpu.memory_space<semaphore_mem>>) src(%dma_wait3A_411 : memref<1048576x16xf32, #tpu.memory_space<hbm>>) dst(%dma_wait3A_408 : memref<16x16xf32, #tpu.memory_space<vmem>>)
      %dma_wait3A_412 = arith.constant 224 : i32
      %dma_wait3A_413 = arith.constant 0 : i32
      %dma_wait3A_414 = tpu.memref_slice %arg6[%dma_wait3A_412, %dma_wait3A_413] : memref<256x16xf32, #tpu.memory_space<vmem>> -> memref<16x16xf32, #tpu.memory_space<vmem>>
      %dma_wait3A_415 = arith.constant 0 : i32
      %dma_wait3A_416 = arith.constant 0 : i32
      %dma_wait3A_417 = tpu.memref_slice %arg2[%dma_wait3A_415, %dma_wait3A_416] : memref<1048576x16xf32, #tpu.memory_space<hbm>> -> memref<1048576x16xf32, #tpu.memory_space<hbm>>
      tpu.wait_indirect_dma semaphore(%arg7 : memref<!tpu.dma_semaphore, #tpu.memory_space<semaphore_mem>>) src(%dma_wait3A_417 : memref<1048576x16xf32, #tpu.memory_space<hbm>>) dst(%dma_wait3A_414 : memref<16x16xf32, #tpu.memory_space<vmem>>)
      %dma_wait3A_418 = arith.constant 240 : i32
      %dma_wait3A_419 = arith.constant 0 : i32
      %dma_wait3A_420 = tpu.memref_slice %arg6[%dma_wait3A_418, %dma_wait3A_419] : memref<256x16xf32, #tpu.memory_space<vmem>> -> memref<16x16xf32, #tpu.memory_space<vmem>>
      %dma_wait3A_421 = arith.constant 0 : i32
      %dma_wait3A_422 = arith.constant 0 : i32
      %dma_wait3A_423 = tpu.memref_slice %arg2[%dma_wait3A_421, %dma_wait3A_422] : memref<1048576x16xf32, #tpu.memory_space<hbm>> -> memref<1048576x16xf32, #tpu.memory_space<hbm>>
      tpu.wait_indirect_dma semaphore(%arg7 : memref<!tpu.dma_semaphore, #tpu.memory_space<semaphore_mem>>) src(%dma_wait3A_423 : memref<1048576x16xf32, #tpu.memory_space<hbm>>) dst(%dma_wait3A_420 : memref<16x16xf32, #tpu.memory_space<vmem>>)
      %mul3A_424 = arith.constant 16 : i32
      %mul3A_425 = arith.muli %add3A_11, %mul3A_424 : i32
      "tpu.region"() ({
        %run_scoped3A = tpu.sem_alloc : memref<!tpu.dma_semaphore, #tpu.memory_space<semaphore_mem>>
        %dma_start3A_426 = arith.constant 0 : i32
        %dma_start3A_427 = tpu.memref_slice %arg4[%mul3A_425, %dma_start3A_426] : memref<131072x16xf32, #tpu.memory_space<hbm>> -> memref<256x16xf32, #tpu.memory_space<hbm>>
        %dma_start3A_428 = arith.constant 0 : i32
        %dma_start3A_429 = tpu.memref_slice %arg4[%mul3A_425, %dma_start3A_428] : memref<131072x16xf32, #tpu.memory_space<hbm>> -> memref<256x16xf32, #tpu.memory_space<hbm>>
        tpu.enqueue_dma source(%arg6 : memref<256x16xf32, #tpu.memory_space<vmem>>) target(%dma_start3A_429 : memref<256x16xf32, #tpu.memory_space<hbm>>) target_semaphore(%run_scoped3A : memref<!tpu.dma_semaphore, #tpu.memory_space<semaphore_mem>>)
        %dma_wait3A_430 = arith.constant 0 : i32
        %dma_wait3A_431 = tpu.memref_slice %arg4[%mul3A_425, %dma_wait3A_430] : memref<131072x16xf32, #tpu.memory_space<hbm>> -> memref<256x16xf32, #tpu.memory_space<hbm>>
        %dma_wait3A_432 = arith.constant 0 : i32
        %dma_wait3A_433 = tpu.memref_slice %arg4[%mul3A_425, %dma_wait3A_432] : memref<131072x16xf32, #tpu.memory_space<hbm>> -> memref<256x16xf32, #tpu.memory_space<hbm>>
        tpu.wait_dma2 semaphore(%run_scoped3A : memref<!tpu.dma_semaphore, #tpu.memory_space<semaphore_mem>>) src(%arg6 : memref<256x16xf32, #tpu.memory_space<vmem>>) dst(%dma_wait3A_433 : memref<256x16xf32, #tpu.memory_space<hbm>>)
        tpu.yield
      }) : () -> ()
    }
    %scan3A_7 = arith.constant 16 : i32
    return
  }
}

module attributes {stable_mosaic.version = 14 : i64} {
  func.func @_dist_body(%arg0: i32, %arg1: i32, %arg2: memref<1x512x64xf32, #tpu.memory_space<vmem>>, %arg3: memref<1x2048x64xf32, #tpu.memory_space<vmem>>, %arg4: memref<1x512x1xf32, #tpu.memory_space<vmem>>, %arg5: memref<1x1x2048xf32, #tpu.memory_space<vmem>>, %arg6: memref<1x512x2048xf32, #tpu.memory_space<vmem>>) attributes {dimension_semantics = [#tpu.dimension_semantics<arbitrary>, #tpu.dimension_semantics<arbitrary>], iteration_bounds = array<i64: 4, 4>, scalar_prefetch = 0 : i64, scratch_operands = 0 : i64, tpu.core_type = #tpu.core_type<tc>, window_params = [{transform_indices = @transform_0, window_bounds = array<i64: 1, 512, 64>}, {transform_indices = @transform_1, window_bounds = array<i64: 1, 2048, 64>}, {transform_indices = @transform_2, window_bounds = array<i64: 1, 512, 1>}, {transform_indices = @transform_3, window_bounds = array<i64: 1, 1, 2048>}, {transform_indices = @transform_4, window_bounds = array<i64: 1, 512, 2048>}]} {
    %get3A = arith.constant 0 : index
    %get3A_0 = arith.constant 0 : index
    %get3A_1 = arith.constant 0 : index
    %get3A_2 = vector.load %arg2[%get3A, %get3A_0, %get3A_1] : memref<1x512x64xf32, #tpu.memory_space<vmem>>, vector<1x512x64xf32>
    %get3A_3 = vector.shape_cast %get3A_2 : vector<1x512x64xf32> to vector<512x64xf32>
    %get3A_4 = arith.constant 0 : index
    %get3A_5 = arith.constant 0 : index
    %get3A_6 = arith.constant 0 : index
    %get3A_7 = vector.load %arg3[%get3A_4, %get3A_5, %get3A_6] : memref<1x2048x64xf32, #tpu.memory_space<vmem>>, vector<1x2048x64xf32>
    %get3A_8 = vector.shape_cast %get3A_7 : vector<1x2048x64xf32> to vector<2048x64xf32>
    %dot_general3A = arith.constant dense<0.000000e+00> : vector<512x2048xf32>
    %dot_general3A_9 = tpu.matmul %get3A_3, %get3A_8, %dot_general3A {dimension_numbers = #tpu.dot_dimension_numbers<[1], [1], [0], [0], [0, 0, 1, 0], [], []>, transpose_lhs_hint = false} : vector<512x64xf32>, vector<2048x64xf32>, vector<512x2048xf32> -> vector<512x2048xf32>
    %get3A_10 = arith.constant 0 : index
    %get3A_11 = arith.constant 0 : index
    %get3A_12 = arith.constant 0 : index
    %get3A_13 = vector.load %arg4[%get3A_10, %get3A_11, %get3A_12] : memref<1x512x1xf32, #tpu.memory_space<vmem>>, vector<1x512x1xf32>
    %get3A_14 = vector.shape_cast %get3A_13 : vector<1x512x1xf32> to vector<512x1xf32>
    %get3A_15 = arith.constant 0 : index
    %get3A_16 = arith.constant 0 : index
    %get3A_17 = arith.constant 0 : index
    %get3A_18 = vector.load %arg5[%get3A_15, %get3A_16, %get3A_17] : memref<1x1x2048xf32, #tpu.memory_space<vmem>>, vector<1x1x2048xf32>
    %get3A_19 = vector.shape_cast %get3A_18 : vector<1x1x2048xf32> to vector<1x2048xf32>
    %add3A = vector.broadcast %get3A_14 : vector<512x1xf32> to vector<512x2048xf32>
    %add3A_20 = vector.broadcast %get3A_19 : vector<1x2048xf32> to vector<512x2048xf32>
    %add3A_21 = arith.addf %add3A, %add3A_20 : vector<512x2048xf32>
    %mul3A = arith.constant 2.000000e+00 : f32
    %mul3A_22 = vector.broadcast %mul3A : f32 to vector<512x2048xf32>
    %mul3A_23 = arith.mulf %mul3A_22, %dot_general3A_9 : vector<512x2048xf32>
    %sub3A = arith.subf %add3A_21, %mul3A_23 : vector<512x2048xf32>
    %swap3A = arith.constant 0 : index
    %swap3A_24 = arith.constant 0 : index
    %swap3A_25 = arith.constant 0 : index
    %swap3A_26 = vector.load %arg6[%swap3A, %swap3A_24, %swap3A_25] : memref<1x512x2048xf32, #tpu.memory_space<vmem>>, vector<1x512x2048xf32>
    %swap3A_27 = vector.shape_cast %swap3A_26 : vector<1x512x2048xf32> to vector<512x2048xf32>
    %swap3A_28 = vector.shape_cast %sub3A : vector<512x2048xf32> to vector<1x512x2048xf32>
    tpu.vector_store %arg6[%swap3A, %swap3A_24, %swap3A_25], %swap3A_28 {strides = array<i32>} : memref<1x512x2048xf32, #tpu.memory_space<vmem>>, vector<1x512x2048xf32>,
    return
  }
  func.func @transform_0(%arg0: i32, %arg1: i32) -> (i32, i32, i32) {
    %c0_i32 = arith.constant 0 : i32
    %c0_i32_0 = arith.constant 0 : i32
    return %arg0, %arg1, %c0_i32 : i32, i32, i32
  }
  func.func @transform_1(%arg0: i32, %arg1: i32) -> (i32, i32, i32) {
    %c0_i32 = arith.constant 0 : i32
    %c0_i32_0 = arith.constant 0 : i32
    %c0_i32_1 = arith.constant 0 : i32
    return %arg0, %c0_i32, %c0_i32_0 : i32, i32, i32
  }
  func.func @transform_2(%arg0: i32, %arg1: i32) -> (i32, i32, i32) {
    %c0_i32 = arith.constant 0 : i32
    %c0_i32_0 = arith.constant 0 : i32
    return %arg0, %arg1, %c0_i32 : i32, i32, i32
  }
  func.func @transform_3(%arg0: i32, %arg1: i32) -> (i32, i32, i32) {
    %c0_i32 = arith.constant 0 : i32
    %c0_i32_0 = arith.constant 0 : i32
    %c0_i32_1 = arith.constant 0 : i32
    return %arg0, %c0_i32, %c0_i32_0 : i32, i32, i32
  }
  func.func @transform_4(%arg0: i32, %arg1: i32) -> (i32, i32, i32) {
    %c0_i32 = arith.constant 0 : i32
    %c0_i32_0 = arith.constant 0 : i32
    return %arg0, %arg1, %c0_i32 : i32, i32, i32
  }
}

module attributes {stable_mosaic.version = 14 : i64} {
  func.func @_recurrence_body(%arg0: i32, %arg1: memref<16x1024xf32, #tpu.memory_space<vmem>>, %arg2: memref<16x1024xf32, #tpu.memory_space<vmem>>, %arg3: memref<16x1024xf32, #tpu.memory_space<vmem>>, %arg4: memref<16x1024xf32, #tpu.memory_space<vmem>>, %arg5: memref<16x1024xf32, #tpu.memory_space<vmem>>, %arg6: memref<16x1024xf32, #tpu.memory_space<vmem>>, %arg7: memref<16x1024xf32, #tpu.memory_space<vmem>>, %arg8: memref<16x1024xf32, #tpu.memory_space<vmem>>) attributes {dimension_semantics = [#tpu.dimension_semantics<arbitrary>], iteration_bounds = array<i64: 8>, scalar_prefetch = 0 : i64, scratch_operands = 0 : i64, tpu.core_type = #tpu.core_type<tc>, window_params = [{transform_indices = @transform_0, window_bounds = array<i64: 16, 1024>}, {transform_indices = @transform_1, window_bounds = array<i64: 16, 1024>}, {transform_indices = @transform_2, window_bounds = array<i64: 16, 1024>}, {transform_indices = @transform_3, window_bounds = array<i64: 16, 1024>}, {transform_indices = @transform_4, window_bounds = array<i64: 16, 1024>}, {transform_indices = @transform_5, window_bounds = array<i64: 16, 1024>}, {transform_indices = @transform_6, window_bounds = array<i64: 16, 1024>}, {transform_indices = @transform_7, window_bounds = array<i64: 16, 1024>}]} {
    %get3A = arith.constant 0 : index
    %get3A_0 = arith.constant 0 : index
    %get3A_1 = vector.load %arg1[%get3A, %get3A_0] : memref<16x1024xf32, #tpu.memory_space<vmem>>, vector<16x1024xf32>
    %reduce_max3A = arith.constant dense<0xFF800000> : vector<1024xf32>
    %reduce_max3A_2 = vector.multi_reduction <maximumf>, %get3A_1, %reduce_max3A [0] : vector<16x1024xf32> to vector<1024xf32>
    %broadcast_in_dim3A = vector.shape_cast %reduce_max3A_2 : vector<1024xf32> to vector<1x1024xf32>
    %sub3A = vector.broadcast %broadcast_in_dim3A : vector<1x1024xf32> to vector<16x1024xf32>
    %sub3A_3 = arith.subf %get3A_1, %sub3A : vector<16x1024xf32>
    %exp3A = math.exp %sub3A_3 : vector<16x1024xf32>
    %reduce_sum3A = arith.constant dense<0.000000e+00> : vector<1024xf32>
    %reduce_sum3A_4 = vector.multi_reduction <add>, %exp3A, %reduce_sum3A [0] : vector<16x1024xf32> to vector<1024xf32>
    %broadcast_in_dim3A_5 = vector.shape_cast %reduce_sum3A_4 : vector<1024xf32> to vector<1x1024xf32>
    %log3A = math.log %broadcast_in_dim3A_5 : vector<1x1024xf32>
    %sub3A_6 = vector.broadcast %log3A : vector<1x1024xf32> to vector<16x1024xf32>
    %sub3A_7 = arith.subf %sub3A_3, %sub3A_6 : vector<16x1024xf32>
    %exp3A_8 = math.exp %sub3A_7 : vector<16x1024xf32>
    %swap3A = arith.constant 0 : index
    %swap3A_9 = arith.constant 0 : index
    %swap3A_10 = vector.load %arg2[%swap3A, %swap3A_9] : memref<16x1024xf32, #tpu.memory_space<vmem>>, vector<16x1024xf32>
    tpu.vector_store %arg2[%swap3A, %swap3A_9], %exp3A_8 {strides = array<i32>} : memref<16x1024xf32, #tpu.memory_space<vmem>>, vector<16x1024xf32>,
    %sub3A_11 = vector.broadcast %broadcast_in_dim3A_5 : vector<1x1024xf32> to vector<16x1024xf32>
    %sub3A_12 = arith.subf %sub3A_11, %exp3A : vector<16x1024xf32>
    %div3A = vector.broadcast %broadcast_in_dim3A_5 : vector<1x1024xf32> to vector<16x1024xf32>
    %div3A_13 = arith.divf %sub3A_12, %div3A : vector<16x1024xf32>
    %log3A_14 = math.log %div3A_13 : vector<16x1024xf32>
    %add3A = arith.addf %get3A_1, %log3A_14 : vector<16x1024xf32>
    %reduce_max3A_15 = arith.constant dense<0xFF800000> : vector<1024xf32>
    %reduce_max3A_16 = vector.multi_reduction <maximumf>, %add3A, %reduce_max3A_15 [0] : vector<16x1024xf32> to vector<1024xf32>
    %broadcast_in_dim3A_17 = vector.shape_cast %reduce_max3A_16 : vector<1024xf32> to vector<1x1024xf32>
    %sub3A_18 = vector.broadcast %broadcast_in_dim3A_17 : vector<1x1024xf32> to vector<16x1024xf32>
    %sub3A_19 = arith.subf %add3A, %sub3A_18 : vector<16x1024xf32>
    %exp3A_20 = math.exp %sub3A_19 : vector<16x1024xf32>
    %reduce_sum3A_21 = arith.constant dense<0.000000e+00> : vector<1024xf32>
    %reduce_sum3A_22 = vector.multi_reduction <add>, %exp3A_20, %reduce_sum3A_21 [0] : vector<16x1024xf32> to vector<1024xf32>
    %broadcast_in_dim3A_23 = vector.shape_cast %reduce_sum3A_22 : vector<1024xf32> to vector<1x1024xf32>
    %log3A_24 = math.log %broadcast_in_dim3A_23 : vector<1x1024xf32>
    %sub3A_25 = vector.broadcast %log3A_24 : vector<1x1024xf32> to vector<16x1024xf32>
    %sub3A_26 = arith.subf %sub3A_19, %sub3A_25 : vector<16x1024xf32>
    %exp3A_27 = math.exp %sub3A_26 : vector<16x1024xf32>
    %swap3A_28 = arith.constant 0 : index
    %swap3A_29 = arith.constant 0 : index
    %swap3A_30 = vector.load %arg3[%swap3A_28, %swap3A_29] : memref<16x1024xf32, #tpu.memory_space<vmem>>, vector<16x1024xf32>
    tpu.vector_store %arg3[%swap3A_28, %swap3A_29], %exp3A_27 {strides = array<i32>} : memref<16x1024xf32, #tpu.memory_space<vmem>>, vector<16x1024xf32>,
    %sub3A_31 = vector.broadcast %broadcast_in_dim3A_23 : vector<1x1024xf32> to vector<16x1024xf32>
    %sub3A_32 = arith.subf %sub3A_31, %exp3A_20 : vector<16x1024xf32>
    %div3A_33 = vector.broadcast %broadcast_in_dim3A_23 : vector<1x1024xf32> to vector<16x1024xf32>
    %div3A_34 = arith.divf %sub3A_32, %div3A_33 : vector<16x1024xf32>
    %log3A_35 = math.log %div3A_34 : vector<16x1024xf32>
    %add3A_36 = arith.addf %add3A, %log3A_35 : vector<16x1024xf32>
    %reduce_max3A_37 = arith.constant dense<0xFF800000> : vector<1024xf32>
    %reduce_max3A_38 = vector.multi_reduction <maximumf>, %add3A_36, %reduce_max3A_37 [0] : vector<16x1024xf32> to vector<1024xf32>
    %broadcast_in_dim3A_39 = vector.shape_cast %reduce_max3A_38 : vector<1024xf32> to vector<1x1024xf32>
    %sub3A_40 = vector.broadcast %broadcast_in_dim3A_39 : vector<1x1024xf32> to vector<16x1024xf32>
    %sub3A_41 = arith.subf %add3A_36, %sub3A_40 : vector<16x1024xf32>
    %exp3A_42 = math.exp %sub3A_41 : vector<16x1024xf32>
    %reduce_sum3A_43 = arith.constant dense<0.000000e+00> : vector<1024xf32>
    %reduce_sum3A_44 = vector.multi_reduction <add>, %exp3A_42, %reduce_sum3A_43 [0] : vector<16x1024xf32> to vector<1024xf32>
    %broadcast_in_dim3A_45 = vector.shape_cast %reduce_sum3A_44 : vector<1024xf32> to vector<1x1024xf32>
    %log3A_46 = math.log %broadcast_in_dim3A_45 : vector<1x1024xf32>
    %sub3A_47 = vector.broadcast %log3A_46 : vector<1x1024xf32> to vector<16x1024xf32>
    %sub3A_48 = arith.subf %sub3A_41, %sub3A_47 : vector<16x1024xf32>
    %exp3A_49 = math.exp %sub3A_48 : vector<16x1024xf32>
    %swap3A_50 = arith.constant 0 : index
    %swap3A_51 = arith.constant 0 : index
    %swap3A_52 = vector.load %arg4[%swap3A_50, %swap3A_51] : memref<16x1024xf32, #tpu.memory_space<vmem>>, vector<16x1024xf32>
    tpu.vector_store %arg4[%swap3A_50, %swap3A_51], %exp3A_49 {strides = array<i32>} : memref<16x1024xf32, #tpu.memory_space<vmem>>, vector<16x1024xf32>,
    %sub3A_53 = vector.broadcast %broadcast_in_dim3A_45 : vector<1x1024xf32> to vector<16x1024xf32>
    %sub3A_54 = arith.subf %sub3A_53, %exp3A_42 : vector<16x1024xf32>
    %div3A_55 = vector.broadcast %broadcast_in_dim3A_45 : vector<1x1024xf32> to vector<16x1024xf32>
    %div3A_56 = arith.divf %sub3A_54, %div3A_55 : vector<16x1024xf32>
    %log3A_57 = math.log %div3A_56 : vector<16x1024xf32>
    %add3A_58 = arith.addf %add3A_36, %log3A_57 : vector<16x1024xf32>
    %reduce_max3A_59 = arith.constant dense<0xFF800000> : vector<1024xf32>
    %reduce_max3A_60 = vector.multi_reduction <maximumf>, %add3A_58, %reduce_max3A_59 [0] : vector<16x1024xf32> to vector<1024xf32>
    %broadcast_in_dim3A_61 = vector.shape_cast %reduce_max3A_60 : vector<1024xf32> to vector<1x1024xf32>
    %sub3A_62 = vector.broadcast %broadcast_in_dim3A_61 : vector<1x1024xf32> to vector<16x1024xf32>
    %sub3A_63 = arith.subf %add3A_58, %sub3A_62 : vector<16x1024xf32>
    %exp3A_64 = math.exp %sub3A_63 : vector<16x1024xf32>
    %reduce_sum3A_65 = arith.constant dense<0.000000e+00> : vector<1024xf32>
    %reduce_sum3A_66 = vector.multi_reduction <add>, %exp3A_64, %reduce_sum3A_65 [0] : vector<16x1024xf32> to vector<1024xf32>
    %broadcast_in_dim3A_67 = vector.shape_cast %reduce_sum3A_66 : vector<1024xf32> to vector<1x1024xf32>
    %log3A_68 = math.log %broadcast_in_dim3A_67 : vector<1x1024xf32>
    %sub3A_69 = vector.broadcast %log3A_68 : vector<1x1024xf32> to vector<16x1024xf32>
    %sub3A_70 = arith.subf %sub3A_63, %sub3A_69 : vector<16x1024xf32>
    %exp3A_71 = math.exp %sub3A_70 : vector<16x1024xf32>
    %swap3A_72 = arith.constant 0 : index
    %swap3A_73 = arith.constant 0 : index
    %swap3A_74 = vector.load %arg5[%swap3A_72, %swap3A_73] : memref<16x1024xf32, #tpu.memory_space<vmem>>, vector<16x1024xf32>
    tpu.vector_store %arg5[%swap3A_72, %swap3A_73], %exp3A_71 {strides = array<i32>} : memref<16x1024xf32, #tpu.memory_space<vmem>>, vector<16x1024xf32>,
    %sub3A_75 = vector.broadcast %broadcast_in_dim3A_67 : vector<1x1024xf32> to vector<16x1024xf32>
    %sub3A_76 = arith.subf %sub3A_75, %exp3A_64 : vector<16x1024xf32>
    %div3A_77 = vector.broadcast %broadcast_in_dim3A_67 : vector<1x1024xf32> to vector<16x1024xf32>
    %div3A_78 = arith.divf %sub3A_76, %div3A_77 : vector<16x1024xf32>
    %log3A_79 = math.log %div3A_78 : vector<16x1024xf32>
    %add3A_80 = arith.addf %add3A_58, %log3A_79 : vector<16x1024xf32>
    %reduce_max3A_81 = arith.constant dense<0xFF800000> : vector<1024xf32>
    %reduce_max3A_82 = vector.multi_reduction <maximumf>, %add3A_80, %reduce_max3A_81 [0] : vector<16x1024xf32> to vector<1024xf32>
    %broadcast_in_dim3A_83 = vector.shape_cast %reduce_max3A_82 : vector<1024xf32> to vector<1x1024xf32>
    %sub3A_84 = vector.broadcast %broadcast_in_dim3A_83 : vector<1x1024xf32> to vector<16x1024xf32>
    %sub3A_85 = arith.subf %add3A_80, %sub3A_84 : vector<16x1024xf32>
    %exp3A_86 = math.exp %sub3A_85 : vector<16x1024xf32>
    %reduce_sum3A_87 = arith.constant dense<0.000000e+00> : vector<1024xf32>
    %reduce_sum3A_88 = vector.multi_reduction <add>, %exp3A_86, %reduce_sum3A_87 [0] : vector<16x1024xf32> to vector<1024xf32>
    %broadcast_in_dim3A_89 = vector.shape_cast %reduce_sum3A_88 : vector<1024xf32> to vector<1x1024xf32>
    %log3A_90 = math.log %broadcast_in_dim3A_89 : vector<1x1024xf32>
    %sub3A_91 = vector.broadcast %log3A_90 : vector<1x1024xf32> to vector<16x1024xf32>
    %sub3A_92 = arith.subf %sub3A_85, %sub3A_91 : vector<16x1024xf32>
    %exp3A_93 = math.exp %sub3A_92 : vector<16x1024xf32>
    %swap3A_94 = arith.constant 0 : index
    %swap3A_95 = arith.constant 0 : index
    %swap3A_96 = vector.load %arg6[%swap3A_94, %swap3A_95] : memref<16x1024xf32, #tpu.memory_space<vmem>>, vector<16x1024xf32>
    tpu.vector_store %arg6[%swap3A_94, %swap3A_95], %exp3A_93 {strides = array<i32>} : memref<16x1024xf32, #tpu.memory_space<vmem>>, vector<16x1024xf32>,
    %sub3A_97 = vector.broadcast %broadcast_in_dim3A_89 : vector<1x1024xf32> to vector<16x1024xf32>
    %sub3A_98 = arith.subf %sub3A_97, %exp3A_86 : vector<16x1024xf32>
    %div3A_99 = vector.broadcast %broadcast_in_dim3A_89 : vector<1x1024xf32> to vector<16x1024xf32>
    %div3A_100 = arith.divf %sub3A_98, %div3A_99 : vector<16x1024xf32>
    %log3A_101 = math.log %div3A_100 : vector<16x1024xf32>
    %add3A_102 = arith.addf %add3A_80, %log3A_101 : vector<16x1024xf32>
    %reduce_max3A_103 = arith.constant dense<0xFF800000> : vector<1024xf32>
    %reduce_max3A_104 = vector.multi_reduction <maximumf>, %add3A_102, %reduce_max3A_103 [0] : vector<16x1024xf32> to vector<1024xf32>
    %broadcast_in_dim3A_105 = vector.shape_cast %reduce_max3A_104 : vector<1024xf32> to vector<1x1024xf32>
    %sub3A_106 = vector.broadcast %broadcast_in_dim3A_105 : vector<1x1024xf32> to vector<16x1024xf32>
    %sub3A_107 = arith.subf %add3A_102, %sub3A_106 : vector<16x1024xf32>
    %exp3A_108 = math.exp %sub3A_107 : vector<16x1024xf32>
    %reduce_sum3A_109 = arith.constant dense<0.000000e+00> : vector<1024xf32>
    %reduce_sum3A_110 = vector.multi_reduction <add>, %exp3A_108, %reduce_sum3A_109 [0] : vector<16x1024xf32> to vector<1024xf32>
    %broadcast_in_dim3A_111 = vector.shape_cast %reduce_sum3A_110 : vector<1024xf32> to vector<1x1024xf32>
    %log3A_112 = math.log %broadcast_in_dim3A_111 : vector<1x1024xf32>
    %sub3A_113 = vector.broadcast %log3A_112 : vector<1x1024xf32> to vector<16x1024xf32>
    %sub3A_114 = arith.subf %sub3A_107, %sub3A_113 : vector<16x1024xf32>
    %exp3A_115 = math.exp %sub3A_114 : vector<16x1024xf32>
    %swap3A_116 = arith.constant 0 : index
    %swap3A_117 = arith.constant 0 : index
    %swap3A_118 = vector.load %arg7[%swap3A_116, %swap3A_117] : memref<16x1024xf32, #tpu.memory_space<vmem>>, vector<16x1024xf32>
    tpu.vector_store %arg7[%swap3A_116, %swap3A_117], %exp3A_115 {strides = array<i32>} : memref<16x1024xf32, #tpu.memory_space<vmem>>, vector<16x1024xf32>,
    %sub3A_119 = vector.broadcast %broadcast_in_dim3A_111 : vector<1x1024xf32> to vector<16x1024xf32>
    %sub3A_120 = arith.subf %sub3A_119, %exp3A_108 : vector<16x1024xf32>
    %div3A_121 = vector.broadcast %broadcast_in_dim3A_111 : vector<1x1024xf32> to vector<16x1024xf32>
    %div3A_122 = arith.divf %sub3A_120, %div3A_121 : vector<16x1024xf32>
    %log3A_123 = math.log %div3A_122 : vector<16x1024xf32>
    %add3A_124 = arith.addf %add3A_102, %log3A_123 : vector<16x1024xf32>
    %reduce_max3A_125 = arith.constant dense<0xFF800000> : vector<1024xf32>
    %reduce_max3A_126 = vector.multi_reduction <maximumf>, %add3A_124, %reduce_max3A_125 [0] : vector<16x1024xf32> to vector<1024xf32>
    %broadcast_in_dim3A_127 = vector.shape_cast %reduce_max3A_126 : vector<1024xf32> to vector<1x1024xf32>
    %sub3A_128 = vector.broadcast %broadcast_in_dim3A_127 : vector<1x1024xf32> to vector<16x1024xf32>
    %sub3A_129 = arith.subf %add3A_124, %sub3A_128 : vector<16x1024xf32>
    %exp3A_130 = math.exp %sub3A_129 : vector<16x1024xf32>
    %reduce_sum3A_131 = arith.constant dense<0.000000e+00> : vector<1024xf32>
    %reduce_sum3A_132 = vector.multi_reduction <add>, %exp3A_130, %reduce_sum3A_131 [0] : vector<16x1024xf32> to vector<1024xf32>
    %broadcast_in_dim3A_133 = vector.shape_cast %reduce_sum3A_132 : vector<1024xf32> to vector<1x1024xf32>
    %log3A_134 = math.log %broadcast_in_dim3A_133 : vector<1x1024xf32>
    %sub3A_135 = vector.broadcast %log3A_134 : vector<1x1024xf32> to vector<16x1024xf32>
    %sub3A_136 = arith.subf %sub3A_129, %sub3A_135 : vector<16x1024xf32>
    %exp3A_137 = math.exp %sub3A_136 : vector<16x1024xf32>
    %swap3A_138 = arith.constant 0 : index
    %swap3A_139 = arith.constant 0 : index
    %swap3A_140 = vector.load %arg8[%swap3A_138, %swap3A_139] : memref<16x1024xf32, #tpu.memory_space<vmem>>, vector<16x1024xf32>
    tpu.vector_store %arg8[%swap3A_138, %swap3A_139], %exp3A_137 {strides = array<i32>} : memref<16x1024xf32, #tpu.memory_space<vmem>>, vector<16x1024xf32>,
    return
  }
  func.func @transform_0(%arg0: i32) -> (i32, i32) {
    %c0_i32 = arith.constant 0 : i32
    %c0_i32_0 = arith.constant 0 : i32
    return %c0_i32, %arg0 : i32, i32
  }
  func.func @transform_1(%arg0: i32) -> (i32, i32) {
    %c0_i32 = arith.constant 0 : i32
    %c0_i32_0 = arith.constant 0 : i32
    return %c0_i32, %arg0 : i32, i32
  }
  func.func @transform_2(%arg0: i32) -> (i32, i32) {
    %c0_i32 = arith.constant 0 : i32
    %c0_i32_0 = arith.constant 0 : i32
    return %c0_i32, %arg0 : i32, i32
  }
  func.func @transform_3(%arg0: i32) -> (i32, i32) {
    %c0_i32 = arith.constant 0 : i32
    %c0_i32_0 = arith.constant 0 : i32
    return %c0_i32, %arg0 : i32, i32
  }
  func.func @transform_4(%arg0: i32) -> (i32, i32) {
    %c0_i32 = arith.constant 0 : i32
    %c0_i32_0 = arith.constant 0 : i32
    return %c0_i32, %arg0 : i32, i32
  }
  func.func @transform_5(%arg0: i32) -> (i32, i32) {
    %c0_i32 = arith.constant 0 : i32
    %c0_i32_0 = arith.constant 0 : i32
    return %c0_i32, %arg0 : i32, i32
  }
  func.func @transform_6(%arg0: i32) -> (i32, i32) {
    %c0_i32 = arith.constant 0 : i32
    %c0_i32_0 = arith.constant 0 : i32
    return %c0_i32, %arg0 : i32, i32
  }
  func.func @transform_7(%arg0: i32) -> (i32, i32) {
    %c0_i32 = arith.constant 0 : i32
    %c0_i32_0 = arith.constant 0 : i32
    return %c0_i32, %arg0 : i32, i32
  }
}

module attributes {stable_mosaic.version = 14 : i64} {
  func.func @_agg_body(%arg0: i32, %arg1: memref<2048x128xf32, #tpu.memory_space<vmem>>, %arg2: memref<128x16xf32, #tpu.memory_space<vmem>>, %arg3: memref<128x16xf32, #tpu.memory_space<vmem>>, %arg4: memref<128x16xf32, #tpu.memory_space<vmem>>, %arg5: memref<128x16xf32, #tpu.memory_space<vmem>>, %arg6: memref<128x16xf32, #tpu.memory_space<vmem>>, %arg7: memref<128x16xf32, #tpu.memory_space<vmem>>, %arg8: memref<128x16xf32, #tpu.memory_space<vmem>>, %arg9: memref<128x128xf32, #tpu.memory_space<vmem>>, %arg10: memref<128x128xf32, #tpu.memory_space<vmem>>, %arg11: memref<128x128xf32, #tpu.memory_space<vmem>>, %arg12: memref<128x128xf32, #tpu.memory_space<vmem>>, %arg13: memref<128x128xf32, #tpu.memory_space<vmem>>, %arg14: memref<128x128xf32, #tpu.memory_space<vmem>>, %arg15: memref<128x128xf32, #tpu.memory_space<vmem>>) attributes {dimension_semantics = [#tpu.dimension_semantics<arbitrary>], iteration_bounds = array<i64: 64>, scalar_prefetch = 0 : i64, scratch_operands = 0 : i64, tpu.core_type = #tpu.core_type<tc>, window_params = [{transform_indices = @transform_0, window_bounds = array<i64: 2048, 128>}, {transform_indices = @transform_1, window_bounds = array<i64: 128, 16>}, {transform_indices = @transform_2, window_bounds = array<i64: 128, 16>}, {transform_indices = @transform_3, window_bounds = array<i64: 128, 16>}, {transform_indices = @transform_4, window_bounds = array<i64: 128, 16>}, {transform_indices = @transform_5, window_bounds = array<i64: 128, 16>}, {transform_indices = @transform_6, window_bounds = array<i64: 128, 16>}, {transform_indices = @transform_7, window_bounds = array<i64: 128, 16>}, {transform_indices = @transform_8, window_bounds = array<i64: 128, 128>}, {transform_indices = @transform_9, window_bounds = array<i64: 128, 128>}, {transform_indices = @transform_10, window_bounds = array<i64: 128, 128>}, {transform_indices = @transform_11, window_bounds = array<i64: 128, 128>}, {transform_indices = @transform_12, window_bounds = array<i64: 128, 128>}, {transform_indices = @transform_13, window_bounds = array<i64: 128, 128>}, {transform_indices = @transform_14, window_bounds = array<i64: 128, 128>}]} {
    %get3A = arith.constant 0 : index
    %get3A_0 = arith.constant 0 : index
    %get3A_1 = vector.load %arg1[%get3A, %get3A_0] : memref<2048x128xf32, #tpu.memory_space<vmem>>, vector<2048x128xf32>
    %reshape3A = vector.shape_cast %get3A_1 : vector<2048x128xf32> to vector<128x16x128xf32>
    %get3A_2 = arith.constant 0 : index
    %get3A_3 = arith.constant 0 : index
    %get3A_4 = vector.load %arg2[%get3A_2, %get3A_3] : memref<128x16xf32, #tpu.memory_space<vmem>>, vector<128x16xf32>
    %broadcast_in_dim3A = vector.shape_cast %get3A_4 : vector<128x16xf32> to vector<128x16x1xf32>
    %mul3A = vector.broadcast %broadcast_in_dim3A : vector<128x16x1xf32> to vector<128x16x128xf32>
    %mul3A_5 = arith.mulf %reshape3A, %mul3A : vector<128x16x128xf32>
    %reduce_sum3A = arith.constant dense<0.000000e+00> : vector<128x128xf32>
    %reduce_sum3A_6 = vector.multi_reduction <add>, %mul3A_5, %reduce_sum3A [1] : vector<128x16x128xf32> to vector<128x128xf32>
    %swap3A = arith.constant 0 : index
    %swap3A_7 = arith.constant 0 : index
    %swap3A_8 = vector.load %arg9[%swap3A, %swap3A_7] : memref<128x128xf32, #tpu.memory_space<vmem>>, vector<128x128xf32>
    tpu.vector_store %arg9[%swap3A, %swap3A_7], %reduce_sum3A_6 {strides = array<i32>} : memref<128x128xf32, #tpu.memory_space<vmem>>, vector<128x128xf32>,
    %get3A_9 = arith.constant 0 : index
    %get3A_10 = arith.constant 0 : index
    %get3A_11 = vector.load %arg3[%get3A_9, %get3A_10] : memref<128x16xf32, #tpu.memory_space<vmem>>, vector<128x16xf32>
    %broadcast_in_dim3A_12 = vector.shape_cast %get3A_11 : vector<128x16xf32> to vector<128x16x1xf32>
    %mul3A_13 = vector.broadcast %broadcast_in_dim3A_12 : vector<128x16x1xf32> to vector<128x16x128xf32>
    %mul3A_14 = arith.mulf %reshape3A, %mul3A_13 : vector<128x16x128xf32>
    %reduce_sum3A_15 = arith.constant dense<0.000000e+00> : vector<128x128xf32>
    %reduce_sum3A_16 = vector.multi_reduction <add>, %mul3A_14, %reduce_sum3A_15 [1] : vector<128x16x128xf32> to vector<128x128xf32>
    %swap3A_17 = arith.constant 0 : index
    %swap3A_18 = arith.constant 0 : index
    %swap3A_19 = vector.load %arg10[%swap3A_17, %swap3A_18] : memref<128x128xf32, #tpu.memory_space<vmem>>, vector<128x128xf32>
    tpu.vector_store %arg10[%swap3A_17, %swap3A_18], %reduce_sum3A_16 {strides = array<i32>} : memref<128x128xf32, #tpu.memory_space<vmem>>, vector<128x128xf32>,
    %get3A_20 = arith.constant 0 : index
    %get3A_21 = arith.constant 0 : index
    %get3A_22 = vector.load %arg4[%get3A_20, %get3A_21] : memref<128x16xf32, #tpu.memory_space<vmem>>, vector<128x16xf32>
    %broadcast_in_dim3A_23 = vector.shape_cast %get3A_22 : vector<128x16xf32> to vector<128x16x1xf32>
    %mul3A_24 = vector.broadcast %broadcast_in_dim3A_23 : vector<128x16x1xf32> to vector<128x16x128xf32>
    %mul3A_25 = arith.mulf %reshape3A, %mul3A_24 : vector<128x16x128xf32>
    %reduce_sum3A_26 = arith.constant dense<0.000000e+00> : vector<128x128xf32>
    %reduce_sum3A_27 = vector.multi_reduction <add>, %mul3A_25, %reduce_sum3A_26 [1] : vector<128x16x128xf32> to vector<128x128xf32>
    %swap3A_28 = arith.constant 0 : index
    %swap3A_29 = arith.constant 0 : index
    %swap3A_30 = vector.load %arg11[%swap3A_28, %swap3A_29] : memref<128x128xf32, #tpu.memory_space<vmem>>, vector<128x128xf32>
    tpu.vector_store %arg11[%swap3A_28, %swap3A_29], %reduce_sum3A_27 {strides = array<i32>} : memref<128x128xf32, #tpu.memory_space<vmem>>, vector<128x128xf32>,
    %get3A_31 = arith.constant 0 : index
    %get3A_32 = arith.constant 0 : index
    %get3A_33 = vector.load %arg5[%get3A_31, %get3A_32] : memref<128x16xf32, #tpu.memory_space<vmem>>, vector<128x16xf32>
    %broadcast_in_dim3A_34 = vector.shape_cast %get3A_33 : vector<128x16xf32> to vector<128x16x1xf32>
    %mul3A_35 = vector.broadcast %broadcast_in_dim3A_34 : vector<128x16x1xf32> to vector<128x16x128xf32>
    %mul3A_36 = arith.mulf %reshape3A, %mul3A_35 : vector<128x16x128xf32>
    %reduce_sum3A_37 = arith.constant dense<0.000000e+00> : vector<128x128xf32>
    %reduce_sum3A_38 = vector.multi_reduction <add>, %mul3A_36, %reduce_sum3A_37 [1] : vector<128x16x128xf32> to vector<128x128xf32>
    %swap3A_39 = arith.constant 0 : index
    %swap3A_40 = arith.constant 0 : index
    %swap3A_41 = vector.load %arg12[%swap3A_39, %swap3A_40] : memref<128x128xf32, #tpu.memory_space<vmem>>, vector<128x128xf32>
    tpu.vector_store %arg12[%swap3A_39, %swap3A_40], %reduce_sum3A_38 {strides = array<i32>} : memref<128x128xf32, #tpu.memory_space<vmem>>, vector<128x128xf32>,
    %get3A_42 = arith.constant 0 : index
    %get3A_43 = arith.constant 0 : index
    %get3A_44 = vector.load %arg6[%get3A_42, %get3A_43] : memref<128x16xf32, #tpu.memory_space<vmem>>, vector<128x16xf32>
    %broadcast_in_dim3A_45 = vector.shape_cast %get3A_44 : vector<128x16xf32> to vector<128x16x1xf32>
    %mul3A_46 = vector.broadcast %broadcast_in_dim3A_45 : vector<128x16x1xf32> to vector<128x16x128xf32>
    %mul3A_47 = arith.mulf %reshape3A, %mul3A_46 : vector<128x16x128xf32>
    %reduce_sum3A_48 = arith.constant dense<0.000000e+00> : vector<128x128xf32>
    %reduce_sum3A_49 = vector.multi_reduction <add>, %mul3A_47, %reduce_sum3A_48 [1] : vector<128x16x128xf32> to vector<128x128xf32>
    %swap3A_50 = arith.constant 0 : index
    %swap3A_51 = arith.constant 0 : index
    %swap3A_52 = vector.load %arg13[%swap3A_50, %swap3A_51] : memref<128x128xf32, #tpu.memory_space<vmem>>, vector<128x128xf32>
    tpu.vector_store %arg13[%swap3A_50, %swap3A_51], %reduce_sum3A_49 {strides = array<i32>} : memref<128x128xf32, #tpu.memory_space<vmem>>, vector<128x128xf32>,
    %get3A_53 = arith.constant 0 : index
    %get3A_54 = arith.constant 0 : index
    %get3A_55 = vector.load %arg7[%get3A_53, %get3A_54] : memref<128x16xf32, #tpu.memory_space<vmem>>, vector<128x16xf32>
    %broadcast_in_dim3A_56 = vector.shape_cast %get3A_55 : vector<128x16xf32> to vector<128x16x1xf32>
    %mul3A_57 = vector.broadcast %broadcast_in_dim3A_56 : vector<128x16x1xf32> to vector<128x16x128xf32>
    %mul3A_58 = arith.mulf %reshape3A, %mul3A_57 : vector<128x16x128xf32>
    %reduce_sum3A_59 = arith.constant dense<0.000000e+00> : vector<128x128xf32>
    %reduce_sum3A_60 = vector.multi_reduction <add>, %mul3A_58, %reduce_sum3A_59 [1] : vector<128x16x128xf32> to vector<128x128xf32>
    %swap3A_61 = arith.constant 0 : index
    %swap3A_62 = arith.constant 0 : index
    %swap3A_63 = vector.load %arg14[%swap3A_61, %swap3A_62] : memref<128x128xf32, #tpu.memory_space<vmem>>, vector<128x128xf32>
    tpu.vector_store %arg14[%swap3A_61, %swap3A_62], %reduce_sum3A_60 {strides = array<i32>} : memref<128x128xf32, #tpu.memory_space<vmem>>, vector<128x128xf32>,
    %get3A_64 = arith.constant 0 : index
    %get3A_65 = arith.constant 0 : index
    %get3A_66 = vector.load %arg8[%get3A_64, %get3A_65] : memref<128x16xf32, #tpu.memory_space<vmem>>, vector<128x16xf32>
    %broadcast_in_dim3A_67 = vector.shape_cast %get3A_66 : vector<128x16xf32> to vector<128x16x1xf32>
    %mul3A_68 = vector.broadcast %broadcast_in_dim3A_67 : vector<128x16x1xf32> to vector<128x16x128xf32>
    %mul3A_69 = arith.mulf %reshape3A, %mul3A_68 : vector<128x16x128xf32>
    %reduce_sum3A_70 = arith.constant dense<0.000000e+00> : vector<128x128xf32>
    %reduce_sum3A_71 = vector.multi_reduction <add>, %mul3A_69, %reduce_sum3A_70 [1] : vector<128x16x128xf32> to vector<128x128xf32>
    %swap3A_72 = arith.constant 0 : index
    %swap3A_73 = arith.constant 0 : index
    %swap3A_74 = vector.load %arg15[%swap3A_72, %swap3A_73] : memref<128x128xf32, #tpu.memory_space<vmem>>, vector<128x128xf32>
    tpu.vector_store %arg15[%swap3A_72, %swap3A_73], %reduce_sum3A_71 {strides = array<i32>} : memref<128x128xf32, #tpu.memory_space<vmem>>, vector<128x128xf32>,
    return
  }
  func.func @transform_0(%arg0: i32) -> (i32, i32) {
    %c0_i32 = arith.constant 0 : i32
    %c0_i32_0 = arith.constant 0 : i32
    return %arg0, %c0_i32 : i32, i32
  }
  func.func @transform_1(%arg0: i32) -> (i32, i32) {
    %c0_i32 = arith.constant 0 : i32
    %c0_i32_0 = arith.constant 0 : i32
    return %arg0, %c0_i32 : i32, i32
  }
  func.func @transform_2(%arg0: i32) -> (i32, i32) {
    %c0_i32 = arith.constant 0 : i32
    %c0_i32_0 = arith.constant 0 : i32
    return %arg0, %c0_i32 : i32, i32
  }
  func.func @transform_3(%arg0: i32) -> (i32, i32) {
    %c0_i32 = arith.constant 0 : i32
    %c0_i32_0 = arith.constant 0 : i32
    return %arg0, %c0_i32 : i32, i32
  }
  func.func @transform_4(%arg0: i32) -> (i32, i32) {
    %c0_i32 = arith.constant 0 : i32
    %c0_i32_0 = arith.constant 0 : i32
    return %arg0, %c0_i32 : i32, i32
  }
  func.func @transform_5(%arg0: i32) -> (i32, i32) {
    %c0_i32 = arith.constant 0 : i32
    %c0_i32_0 = arith.constant 0 : i32
    return %arg0, %c0_i32 : i32, i32
  }
  func.func @transform_6(%arg0: i32) -> (i32, i32) {
    %c0_i32 = arith.constant 0 : i32
    %c0_i32_0 = arith.constant 0 : i32
    return %arg0, %c0_i32 : i32, i32
  }
  func.func @transform_7(%arg0: i32) -> (i32, i32) {
    %c0_i32 = arith.constant 0 : i32
    %c0_i32_0 = arith.constant 0 : i32
    return %arg0, %c0_i32 : i32, i32
  }
  func.func @transform_8(%arg0: i32) -> (i32, i32) {
    %c0_i32 = arith.constant 0 : i32
    %c0_i32_0 = arith.constant 0 : i32
    return %arg0, %c0_i32 : i32, i32
  }
  func.func @transform_9(%arg0: i32) -> (i32, i32) {
    %c0_i32 = arith.constant 0 : i32
    %c0_i32_0 = arith.constant 0 : i32
    return %arg0, %c0_i32 : i32, i32
  }
  func.func @transform_10(%arg0: i32) -> (i32, i32) {
    %c0_i32 = arith.constant 0 : i32
    %c0_i32_0 = arith.constant 0 : i32
    return %arg0, %c0_i32 : i32, i32
  }
  func.func @transform_11(%arg0: i32) -> (i32, i32) {
    %c0_i32 = arith.constant 0 : i32
    %c0_i32_0 = arith.constant 0 : i32
    return %arg0, %c0_i32 : i32, i32
  }
  func.func @transform_12(%arg0: i32) -> (i32, i32) {
    %c0_i32 = arith.constant 0 : i32
    %c0_i32_0 = arith.constant 0 : i32
    return %arg0, %c0_i32 : i32, i32
  }
  func.func @transform_13(%arg0: i32) -> (i32, i32) {
    %c0_i32 = arith.constant 0 : i32
    %c0_i32_0 = arith.constant 0 : i32
    return %arg0, %c0_i32 : i32, i32
  }
  func.func @transform_14(%arg0: i32) -> (i32, i32) {
    %c0_i32 = arith.constant 0 : i32
    %c0_i32_0 = arith.constant 0 : i32
    return %arg0, %c0_i32 : i32, i32
  }
}

</mosaic_0001>

<sc_bundles>
// kernel: kernel.10.cloned.1.call-start
scs
__scs_entry_jumppad:
0x0: {  	(pc) =	sbr.rel $0x88, $3  }
0x1: {  	(tag) =	ssettag $0x0;
	lr =	simm.s32 $0x1  }
0x2: {  	[smem:$0x3F9C] =	sst lr;
	_ =	strace $0xD0000000  }
0x3: {  	_ = 	snop  }
0x4: {  	_ = 	snop  }
0x5: {  	_ = 	snop  }
0x6: {  	_ = 	snop  }
0x7: {  	_ = 	snop  }
__scs_overlays_trampoline_lowered:
0x8: {  	[smem:$0x3FAB] =	sst s0  }
0x9: {  	[smem:$0x3FAC] =	sst s1  }
0xa: {  	[smem:$0x3FAD] =	sst s2  }
0xb: {  	[smem:$0x3FAE] =	sst s3  }
0xc: {  	[smem:$0x3FAF] =	sst s4  }
0xd: {  	[smem:$0x3FB0] =	sst s5  }
0xe: {  	[smem:$0x3FB1] =	sst s6  }
0xf: {  	[smem:$0x3FB2] =	sst s7  }
0x10: {  	[smem:$0x3FB3] =	sst s8  }
0x11: {  	[smem:$0x3FB4] =	sst s9;
	s0 =	simm.s32 @!p0 $0x0  }
0x12: {  	s1 =	sld [smem:$0x3F9A];
	s0 =	simm.s32 @p0 $0x1  }
0x13: {  	[smem:$0x3FB5] =	sst s0;
	s0 =	simm.s32 @!p1 $0x0  }
0x14: {  	s2 =	sld [smem:$0x3F99];
	s0 =	simm.s32 @p1 $0x1  }
0x15: {  	[smem:$0x3FB6] =	sst s0;
	s0 =	simm.s32 @!p2 $0x0  }
0x16: {  	s3 =	sld [smem:$0x3FDB];
	s0 =	simm.s32 @p2 $0x1  }
0x17: {  	s4 =	simm.s32 $0x1BF5;
	[smem:$0x3FB8] =	sst s0  }
0x18: {  	s0 =	sld [smem:$0x3F9B];
	_ =	swait.ge [sflag:s4], $0x0  }
0x19: {  	s7 =	sld [smem:$0x3F9C]  }
0x1a: {  	s8 =	sadd.s32 $0xFFFFE003, lr  }
0x1b: {  	s9 =	sadd.s32 $0xFFFFFEF7, lr;
	s5 =	simm.s32 $0xFFFFFFFF;
	p2 =	slt.u32 s8, $0xFFFFF086  }
0x1c: {  	p1 =	slt.u32 s9, $0xF7A;
	s5 =	simm.s32 @!p2 $0x0  }
0x1d: {  	s5 =	simm.s32 @p1 $0x1;
	p0 =	seq.s32 s7, s2  }
0x1e: {  	s7 =	smul.u32 @!p0 $0xF7A, s2;
	p2 =	seq.s32 @!p0 s5, $0x0  }
0x1f: {  	s9 =	smul.u32 $0xF7A, s1;
	s8 =	simm.s32 @!p0 $0x1BF5;
	p2 =	por !p2, p0  }
0x20: {  	[sflag:s8] =	ssyncset.s32 @!p0 $0xFFFFF086;
	s6 =	sadd.s32 @!p0 s3, s7;
	s7 =	simm.s32 @!p0 $0x108  }
0x21: {  	s3 =	sadd.s32 s3, s9;
	s6 =	sadd.s32 @!p0 $0x88, s6;
	s7 =	simm.s32 @p2 $0x1082  }
0x22: {  	[simem:s7], [sflag:s8] =	dma.local @!p0 [hbm:s6], $0xF7A  }
0x23: {  	s9 =	sor.u32 $0xD0000000, s2;
	s6 =	simm.s32 $0x108;
	_ =	swait.ge @!p0 [sflag:s8], $0x0  }
0x24: {  	s3 =	sadd.s32 $0x88, s3;
	s6 =	simm.s32 @!p1 $0x1082;
	[sflag:s4] =	ssyncset.s32 $0xFFFFF086  }
0x25: {  	[simem:s6], [sflag:s4] =	dma.local [hbm:s3], $0xF7A  }
0x26: {  	[smem:$0x3F9C] =	sst s1;
	(tag) =	ssettag s2;
	_ =	strace s9  }
0x27: {  	s1 =	sld [smem:$0x3FAC]  }
0x28: {  	s2 =	sld [smem:$0x3FAD]  }
0x29: {  	s4 =	sld [smem:$0x3FAF]  }
0x2a: {  	p0 =	seq.s32 s5, $0x0;
	s5 =	sld [smem:$0x3FB0]  }
0x2b: {  	s6 =	sld [smem:$0x3FB1]  }
0x2c: {  	s7 =	sld [smem:$0x3FB2]  }
0x2d: {  	s3 =	simm.s32 $0x108;
	s8 =	sld [smem:$0x3FB3]  }
0x2e: {  	s3 =	simm.s32 @!p0 $0x1082;
	s9 =	sld [smem:$0x3FB4]  }
0x2f: {  	lr =	sadd.s32 s0, s3;
	s0 =	sld [smem:$0x3FAB]  }
0x30: {  	s3 =	sld [smem:$0x3FAE]  }
0x31: {  	[smem:$0x3FB7] =	sst s10  }
0x32: {  	s10 =	sld [smem:$0x3FB5];
	_ =	sdelay $0x3  }
0x33: {  	p0 =	seq.s32 s10, $0x1;
	s10 =	sld [smem:$0x3FB7];
	_ =	sdelay $0x3  }
0x34: {  	[smem:$0x3FB7] =	sst s10  }
0x35: {  	s10 =	sld [smem:$0x3FB6];
	_ =	sdelay $0x3  }
0x36: {  	p1 =	seq.s32 s10, $0x1;
	s10 =	sld [smem:$0x3FB7];
	_ =	sdelay $0x3  }
0x37: {  	[smem:$0x3FB7] =	sst s10  }
0x38: {  	s10 =	sld [smem:$0x3FB8]  }
0x39: {  	_ = 	snop;
	(pc) =	sbr.ind lr, $3  }
0x3a: {  	_ = 	snop  }
0x3b: {  	_ = 	snop  }
0x3c: {  	p2 =	seq.s32 s10, $0x1;
	s10 =	sld [smem:$0x3FB7]  }
0x3d: {  	_ =	shalt  }
0x3e: {  	_ =	shalt  }
0x3f: {  	_ =	shalt  }
0x40: {  	_ =	shalt  }
0x41: {  	_ =	shalt  }
0x42: {  	_ =	shalt  }
0x43: {  	_ =	shalt  }
0x44: {  	_ =	shalt  }
0x45: {  	_ =	shalt  }
0x46: {  	_ =	shalt  }
0x47: {  	_ =	shalt  }
0x48: {  	_ =	shalt  }
0x49: {  	_ =	shalt  }
0x4a: {  	_ =	shalt  }
0x4b: {  	_ =	shalt  }
0x4c: {  	_ =	shalt  }
0x4d: {  	_ =	shalt  }
0x4e: {  	_ =	shalt  }
0x4f: {  	_ =	shalt  }
0x50: {  	_ =	shalt  }
0x51: {  	_ =	shalt  }
0x52: {  	_ =	shalt  }
0x53: {  	_ =	shalt  }
0x54: {  	_ =	shalt  }
0x55: {  	_ =	shalt  }
0x56: {  	_ =	shalt  }
0x57: {  	_ =	shalt  }
0x58: {  	_ =	shalt  }
0x59: {  	_ =	shalt  }
0x5a: {  	_ =	shalt  }
0x5b: {  	_ =	shalt  }
0x5c: {  	_ =	shalt  }
0x5d: {  	_ =	shalt  }
0x5e: {  	_ =	shalt  }
0x5f: {  	_ =	shalt  }
0x60: {  	_ =	shalt  }
0x61: {  	_ =	shalt  }
0x62: {  	_ =	shalt  }
0x63: {  	_ =	shalt  }
0x64: {  	_ =	shalt  }
0x65: {  	_ =	shalt  }
0x66: {  	_ =	shalt  }
0x67: {  	_ =	shalt  }
0x68: {  	_ =	shalt  }
0x69: {  	_ =	shalt  }
0x6a: {  	_ =	shalt  }
0x6b: {  	_ =	shalt  }
0x6c: {  	_ =	shalt  }
0x6d: {  	_ =	shalt  }
0x6e: {  	_ =	shalt  }
0x6f: {  	_ =	shalt  }
0x70: {  	_ =	shalt  }
0x71: {  	_ =	shalt  }
0x72: {  	_ =	shalt  }
0x73: {  	_ =	shalt  }
0x74: {  	_ =	shalt  }
0x75: {  	_ =	shalt  }
0x76: {  	_ =	shalt  }
0x77: {  	_ =	shalt  }
0x78: {  	_ =	shalt  }
0x79: {  	_ =	shalt  }
0x7a: {  	_ =	shalt  }
0x7b: {  	_ =	shalt  }
0x7c: {  	_ =	shalt  }
0x7d: {  	_ =	shalt  }
0x7e: {  	_ =	shalt  }
0x7f: {  	_ =	shalt  }
0x80: {  	_ =	shalt  }
0x81: {  	_ =	shalt  }
0x82: {  	_ =	shalt  }
0x83: {  	_ =	shalt  }
0x84: {  	_ =	shalt  }
0x85: {  	_ =	shalt  }
0x86: {  	_ =	shalt  }
0x87: {  	_ =	shalt  }
.Lfunc_end0:
.L_simem_size_0:
called_computation.2_lowered:
.L_overlay_start_0:
0x88: {  	s2 =	sld [smem:$0x3FD9]  }
0x89: {  	s3 =	sld [smem:$0x3FFE];
	_ =	sdelay $0x1  }
0x8a: {  	s1 =	srdreg.scid  }
0x8b: {  	s0 =	sand.u32 $0x1, s1  }
0x8c: {  	s17 =	sshll.u32 s0, $0xA;
	s2 =	sadd.s32 s3, s2  }
0x8d: {  	s2 =	sadd.s32 s2, s17  }
0x8e: {  	[smem:$0x3FC3] =	sst s2  }
0x8f: {  	_ = 	snop  }
0x90: {  	s2 =	sld [smem:$0x3FD0];
	(tm) =	ssettm $0x1  }
0x91: {  	s18 =	sld [smem:$0x3FFB];
	_ =	sdelay $0x3  }
0x92: {  	_ =	strace s18  }
0x93: {  	s3 =	sld [smem:$0x3FFC];
	_ =	sdelay $0x3  }
0x94: {  	_ =	strace s3  }
0x95: {  	s3 =	sld [smem:$0x3FFD];
	_ =	sdelay $0x3  }
0x96: {  	_ =	strace s3  }
0x97: {  	_ =	strace $0x8FFFFFFF  }
0x98: {  	s19 =	sld [smem:$0x3FDB];
	_ =	sdelay $0x1  }
0x99: {  	s4 =	simm.s32 $_scs_section_size  }
0x9a: {  	s5 =	simm.s32 $_size__tile_overlayer_lowered;
	s6 =	simm.s32 $_tile_overlayer_lowered  }
0x9b: {  	s22 =	simm.s32 $0x1BFF;
	s21 =	sshll.u32 s6, $0x1;
	s3 =	sadd.s32 s4, s19  }
0x9c: {  	s7 =	simm.s32 $0x0;
	s20 =	sshll.u32 s5, $0x1;
	s5 =	sadd.s32 s21, s3  }
0x9d: {  	[timem:s7], [sflag:s22] =	dma.local [hbm:s5], s20  }
0x9e: {  	_ =	swait.ge [sflag:s22], s20  }
0x9f: {  	s4 =	ssub.s32 $0x0, s20;
	[sflag:s22] =	ssyncset.done $0x0  }
0xa0: {  	[sflag:s22] =	ssyncadd.s32 s4;
	_ =	sdelay $0x1  }
0xa1: {  	s23 =	simm.s32 $0x1B8B  }
0xa2: {  	_ =	swait.ge [sflag:s23], $0x1  }
0xa3: {  	[sflag:s23] =	ssyncset.done $0x0  }
0xa4: {  	s25 =	simm.s32 $0x1B8E;
	s24 =	sld [smem:$0x3FFE];
	[sflag:s23] =	ssyncadd.s32 $0xFFFFFFFF  }
0xa5: {  	s26 =	simm.s32 $execute0_lowered;
	[smem:$0x3FD2] =	sst s25  }
0xa6: {  	s5 =	sshll.u32 s26, $0x1;
	_ =	strace $0x80000049;
	[dreg:$0x1] =	wrdreg $0xFFFFFFFF  }
0xa7: {  	s28 =	simm.s32 $_size_execute0_lowered;
	s3 =	sadd.s32 s3, s5;
	[dreg:$0x0] =	wrdreg $0x0  }
0xa8: {  	s5 =	sshll.u32 s28, $0x1;
	[dreg:$0x2] =	wrdreg s3  }
0xa9: {  	[dreg:$0x3] =	wrdreg s5  }
0xaa: {  	[dreg:$0x4] =	wrdreg $0xC0  }
0xab: {  	_ =	task [dreg:s7], $0x5FFFF  }
0xac: {  	[dreg:$0x1] =	wrdreg $0xFFFFFFFF  }
0xad: {  	[dreg:$0x0] =	wrdreg $0x60  }
0xae: {  	[dreg:$0x2] =	wrdreg s24  }
0xaf: {  	[dreg:$0x3] =	wrdreg s2  }
0xb0: {  	[dreg:$0x4] =	wrdreg $0xA  }
0xb1: {  	_ =	task.clear_ibuf [dreg:s7], $0x5FFFF;
	_ =	strace $0x90000049  }
0xb2: {  	s29 =	simm.s32 $0xA;
	_ =	strace $0x8000004B  }
0xb3: {  	_ =	swait.ge [sflag:s29], $0x1  }
0xb4: {  	[sflag:s29] =	ssyncadd.s32 $0xFFFFFFFF  }
0xb5: {  	_ =	strace $0x9000004B  }
0xb6: {  	_ =	sfence  }
0xb7: {  	s30 =	sld [smem:$0x0];
	_ =	sdelay $0x2  }
0xb8: {  	s31 =	sshll.u32 s1, $0xD;
	s1 =	sshrl.u32 s1, $0x2  }
0xb9: {  	s3 =	sand.u32 $0x4000, s31;
	s1 =	sadd.s32 s1, s30  }
0xba: {  	s0 =	sor.u32 s3, s0;
	s1 =	sshll.u32 s1, $0x11  }
0xbb: {  	s0 =	sor.u32 s1, s0  }
0xbc: {  	s0 =	sadd.s32 $0x8F2B, s0  }
0xbd: {  	[sflag:s0] =	ssyncadd.remote.s32 $0x1  }
0xbe: {  	_ =	sfence.sel $0xFFFF  }
0xbf: {  	[dreg:$0x0] =	wrdreg $0xFFFFFFFF;
	(pc) =	sbr.abs _section_cstart, $3  }
0xc0: {  	[dreg:$0x1] =	wrdreg $0xFFFFFFFF  }
0xc1: {  	_ =	task.clear_ibuf [dreg:s7], $0x2FFFF;
	_ =	strace $0x9FFFFFFF  }
0xc2: {  	(tm) =	ssettm $0x7FFFFFFF  }
0xc3: {  	_ =	shalt  }
tec
execute0_lowered:
.L_overlay_start_1:
0x0: {  	(tag) =	ssettag $0x1  }
0x1: {  	s4 =	rddreg [dreg:$0x0]  }
0x2: {  	s5 =	rddreg [dreg:$0x1]  }
0x3: {  	s0 =	rddreg [dreg:$0x2]  }
0x4: {  	s2 =	simm.s32 $0x0;
	s3 =	srdreg.scid;
	s1 =	stileid.u32  }
0x5: {  	s21 =	simm.s32 $0x200;
	s23 =	simm.s32 $0x300;
	s24 =	simm.s32 $0x400  }
0x6: {  	s26 =	simm.s32 $0x500;
	s28 =	simm.s32 $0x600;
	s29 =	simm.s32 $0x700  }
0x7: {  	s30 =	simm.s32 $0x800;
	s31 =	simm.s32 $0x900;
	s12 =	simm.s32 $0xD00  }
0x8: {  	s13 =	simm.s32 $0xE00;
	s14 =	simm.s32 $0xF00;
	[smem:$0x7FF] =	sst s2  }
0x9: {  	s15 =	simm.s32 $0x1000;
	_ =	strace $0x8000004A;
	[dreg:$0x4] =	wrdreg s21  }
0xa: {  	s16 =	simm.s32 $0x1;
	s17 =	simm.s32 $0x0;
	[dreg:$0x5] =	wrdreg s23  }
0xb: {  	s6 =	sand.u32 $0x1, s3;
	s3 =	sadd.s32 $0x200A00, s4;
	[dreg:$0x6] =	wrdreg s24  }
0xc: {  	s7 =	sshll.u32 s1, $0xA;
	s10 =	sshll.u32 s1, $0x14;
	[dreg:$0x7] =	wrdreg s26  }
0xd: {  	s22 =	sshll.u32 s1, $0xE;
	s8 =	ssub.s32 $0x2, s6;
	[dreg:$0x8] =	wrdreg s28  }
0xe: {  	s11 =	sshll.u32 s6, $0x13;
	s7 =	sadd.s32 s7, s4;
	[dreg:$0x9] =	wrdreg s29  }
0xf: {  	s5 =	sadd.s32 s22, s5;
	s25 =	sshll.u32 s6, $0xD;
	[dreg:$0xa] =	wrdreg s30  }
0x10: {  	s6 =	sshll.u32 s6, $0x9;
	[dreg:$0xb] =	wrdreg s31;
	s9 =	sshrl.u32 s8, $0x1  }
0x11: {  	s20 =	sor.u32 s11, s10;
	s5 =	sadd.s32 s25, s5;
	s6 =	sadd.s32 s6, s7  }
0x12: {  	s7 =	simm.s32 $0x2;
	s10 =	simm.s32 $0xB00;
	s11 =	simm.s32 $0xC00  }
0x13: {  	s19 =	ssub.s32 s8, s9;
	[dreg:$0x3] =	wrdreg s20;
	s6 =	sadd.s32 $0x400A00, s6  }
0x14: {  	vm0 =	vmmov $0xffff;
	s8 =	simm.s32 $0x100;
	s9 =	simm.s32 $0xA00;
	s4 =	smax.u32 s19, $0x1  }
.LBB2_1:
0x15: {  	s18 =	smov.u32 s6;
	s19 =	smov.u32 s5;
	s20 =	simm.s32 $0x0  }
.LBB2_2:
0x16: {  	[tilespmem:s2], [sflag:$0x2] =	stream.linear.gather [hbm4b:s18+s2], $0x100, $0x38;
	[tilespmem:$0x1100] =	vst v63  }
0x17: {  	_ =	swait.ge [sflag:s7], $0x100  }
0x18: {  	[sflag:s7] =	ssyncset.done $0x0  }
0x19: {  	[sflag:s7] =	ssyncadd.s32 $0xFFFFFF00  }
0x1a: {  	v0 =	vld [tilespmem:$0x0];
	_ =	sdelay $0x2  }
0x1b: {  	s21 =	rddreg [dreg:$0x3]  }
0x1c: {  	s21 =	sadd.s32 s20, s21  }
0x1d: {  	v0 =	vadd.s32 s21, v0  }
0x1e: {  	v0 =	vshrl.u32 v0, $0x4;
	_ =	sdelay $0x4  }
0x1f: {  	[tilespmem:s8], [sflag:$0x1] =	stream.indirect_vreg.gather [hbm4b:s3+s2], $0x10, v0, vm0, $0xb8;
	[tilespmem:$0x1100] =	vst v63  }
0x20: {  	v0 =	vld [tilespmem:$0x10];
	_ =	sdelay $0x3  }
0x21: {  	s22 =	sadd.s32 $0x800, s21  }
0x22: {  	v0 =	vadd.s32 s22, v0  }
0x23: {  	v0 =	vshrl.u32 v0, $0x4;
	_ =	sdelay $0x3  }
0x24: {  	s26 =	rddreg [dreg:$0x4]  }
0x25: {  	[tilespmem:s26], [sflag:$0x1] =	stream.indirect_vreg.gather [hbm4b:s3+s2], $0x10, v0, vm0, $0xb8;
	[tilespmem:$0x1100] =	vst v63  }
0x26: {  	v0 =	vld [tilespmem:$0x20];
	_ =	sdelay $0x3  }
0x27: {  	s28 =	sadd.s32 $0x1000, s21  }
0x28: {  	v0 =	vadd.s32 s28, v0  }
0x29: {  	v0 =	vshrl.u32 v0, $0x4;
	_ =	sdelay $0x3  }
0x2a: {  	s29 =	rddreg [dreg:$0x5]  }
0x2b: {  	[tilespmem:s29], [sflag:$0x1] =	stream.indirect_vreg.gather [hbm4b:s3+s2], $0x10, v0, vm0, $0xb8;
	[tilespmem:$0x1100] =	vst v63  }
0x2c: {  	v0 =	vld [tilespmem:$0x30];
	_ =	sdelay $0x3  }
0x2d: {  	s30 =	sadd.s32 $0x1800, s21  }
0x2e: {  	v0 =	vadd.s32 s30, v0  }
0x2f: {  	v0 =	vshrl.u32 v0, $0x4;
	_ =	sdelay $0x3  }
0x30: {  	s31 =	rddreg [dreg:$0x6]  }
0x31: {  	[tilespmem:s31], [sflag:$0x1] =	stream.indirect_vreg.gather [hbm4b:s3+s2], $0x10, v0, vm0, $0xb8;
	[tilespmem:$0x1100] =	vst v63  }
0x32: {  	v0 =	vld [tilespmem:$0x40];
	_ =	sdelay $0x3  }
0x33: {  	s23 =	sadd.s32 $0x2000, s21  }
0x34: {  	v0 =	vadd.s32 s23, v0  }
0x35: {  	v0 =	vshrl.u32 v0, $0x4;
	_ =	sdelay $0x3  }
0x36: {  	s24 =	rddreg [dreg:$0x7]  }
0x37: {  	[tilespmem:s24], [sflag:$0x1] =	stream.indirect_vreg.gather [hbm4b:s3+s2], $0x10, v0, vm0, $0xb8;
	[tilespmem:$0x1100] =	vst v63  }
0x38: {  	v0 =	vld [tilespmem:$0x50];
	_ =	sdelay $0x3  }
0x39: {  	s25 =	sadd.s32 $0x2800, s21  }
0x3a: {  	v0 =	vadd.s32 s25, v0  }
0x3b: {  	v0 =	vshrl.u32 v0, $0x4;
	_ =	sdelay $0x3  }
0x3c: {  	s26 =	rddreg [dreg:$0x8]  }
0x3d: {  	[tilespmem:s26], [sflag:$0x1] =	stream.indirect_vreg.gather [hbm4b:s3+s2], $0x10, v0, vm0, $0xb8;
	[tilespmem:$0x1100] =	vst v63  }
0x3e: {  	v0 =	vld [tilespmem:$0x60];
	_ =	sdelay $0x3  }
0x3f: {  	s28 =	sadd.s32 $0x3000, s21  }
0x40: {  	v0 =	vadd.s32 s28, v0  }
0x41: {  	v0 =	vshrl.u32 v0, $0x4;
	_ =	sdelay $0x3  }
0x42: {  	s29 =	rddreg [dreg:$0x9]  }
0x43: {  	[tilespmem:s29], [sflag:$0x1] =	stream.indirect_vreg.gather [hbm4b:s3+s2], $0x10, v0, vm0, $0xb8;
	[tilespmem:$0x1100] =	vst v63  }
0x44: {  	v0 =	vld [tilespmem:$0x70];
	_ =	sdelay $0x3  }
0x45: {  	s30 =	sadd.s32 $0x3800, s21  }
0x46: {  	v0 =	vadd.s32 s30, v0  }
0x47: {  	v0 =	vshrl.u32 v0, $0x4;
	_ =	sdelay $0x3  }
0x48: {  	s31 =	rddreg [dreg:$0xa]  }
0x49: {  	[tilespmem:s31], [sflag:$0x1] =	stream.indirect_vreg.gather [hbm4b:s3+s2], $0x10, v0, vm0, $0xb8;
	[tilespmem:$0x1100] =	vst v63  }
0x4a: {  	v0 =	vld [tilespmem:$0x80];
	_ =	sdelay $0x3  }
0x4b: {  	s23 =	sadd.s32 $0x4000, s21  }
0x4c: {  	v0 =	vadd.s32 s23, v0  }
0x4d: {  	v0 =	vshrl.u32 v0, $0x4;
	_ =	sdelay $0x3  }
0x4e: {  	s24 =	rddreg [dreg:$0xb]  }
0x4f: {  	[tilespmem:s24], [sflag:$0x1] =	stream.indirect_vreg.gather [hbm4b:s3+s2], $0x10, v0, vm0, $0xb8;
	[tilespmem:$0x1100] =	vst v63  }
0x50: {  	v0 =	vld [tilespmem:$0x90];
	_ =	sdelay $0x3  }
0x51: {  	s25 =	sadd.s32 $0x4800, s21  }
0x52: {  	v0 =	vadd.s32 s25, v0  }
0x53: {  	v0 =	vshrl.u32 v0, $0x4;
	_ =	sdelay $0x4  }
0x54: {  	[tilespmem:s9], [sflag:$0x1] =	stream.indirect_vreg.gather [hbm4b:s3+s2], $0x10, v0, vm0, $0xb8;
	[tilespmem:$0x1100] =	vst v63  }
0x55: {  	v0 =	vld [tilespmem:$0xA0];
	_ =	sdelay $0x3  }
0x56: {  	s26 =	sadd.s32 $0x5000, s21  }
0x57: {  	v0 =	vadd.s32 s26, v0  }
0x58: {  	v0 =	vshrl.u32 v0, $0x4;
	_ =	sdelay $0x4  }
0x59: {  	[tilespmem:s10], [sflag:$0x1] =	stream.indirect_vreg.gather [hbm4b:s3+s2], $0x10, v0, vm0, $0xb8;
	[tilespmem:$0x1100] =	vst v63  }
0x5a: {  	v0 =	vld [tilespmem:$0xB0];
	_ =	sdelay $0x3  }
0x5b: {  	s28 =	sadd.s32 $0x5800, s21  }
0x5c: {  	v0 =	vadd.s32 s28, v0  }
0x5d: {  	v0 =	vshrl.u32 v0, $0x4;
	_ =	sdelay $0x4  }
0x5e: {  	[tilespmem:s11], [sflag:$0x1] =	stream.indirect_vreg.gather [hbm4b:s3+s2], $0x10, v0, vm0, $0xb8;
	[tilespmem:$0x1100] =	vst v63  }
0x5f: {  	v0 =	vld [tilespmem:$0xC0];
	_ =	sdelay $0x3  }
0x60: {  	s29 =	sadd.s32 $0x6000, s21  }
0x61: {  	v0 =	vadd.s32 s29, v0  }
0x62: {  	v0 =	vshrl.u32 v0, $0x4;
	_ =	sdelay $0x4  }
0x63: {  	[tilespmem:s12], [sflag:$0x1] =	stream.indirect_vreg.gather [hbm4b:s3+s2], $0x10, v0, vm0, $0xb8;
	[tilespmem:$0x1100] =	vst v63  }
0x64: {  	v0 =	vld [tilespmem:$0xD0];
	_ =	sdelay $0x3  }
0x65: {  	s30 =	sadd.s32 $0x6800, s21  }
0x66: {  	v0 =	vadd.s32 s30, v0  }
0x67: {  	v0 =	vshrl.u32 v0, $0x4;
	_ =	sdelay $0x4  }
0x68: {  	[tilespmem:s13], [sflag:$0x1] =	stream.indirect_vreg.gather [hbm4b:s3+s2], $0x10, v0, vm0, $0xb8;
	[tilespmem:$0x1100] =	vst v63  }
0x69: {  	v0 =	vld [tilespmem:$0xE0];
	_ =	sdelay $0x3  }
0x6a: {  	s31 =	sadd.s32 $0x7000, s21  }
0x6b: {  	v0 =	vadd.s32 s31, v0  }
0x6c: {  	v0 =	vshrl.u32 v0, $0x4;
	_ =	sdelay $0x4  }
0x6d: {  	[tilespmem:s14], [sflag:$0x1] =	stream.indirect_vreg.gather [hbm4b:s3+s2], $0x10, v0, vm0, $0xb8;
	[tilespmem:$0x1100] =	vst v63  }
0x6e: {  	v0 =	vld [tilespmem:$0xF0];
	_ =	sdelay $0x3  }
0x6f: {  	s21 =	sadd.s32 $0x7800, s21  }
0x70: {  	v0 =	vadd.s32 s21, v0  }
0x71: {  	v0 =	vshrl.u32 v0, $0x4;
	_ =	sdelay $0x4  }
0x72: {  	[tilespmem:s15], [sflag:$0x1] =	stream.indirect_vreg.gather [hbm4b:s3+s2], $0x10, v0, vm0, $0xb8;
	[tilespmem:$0x1100] =	vst v63  }
0x73: {  	_ =	swait.ge [sflag:s16], $0x100  }
0x74: {  	[sflag:s16] =	ssyncset.done $0x0  }
0x75: {  	[sflag:s16] =	ssyncadd.s32 $0xFFFFFF00  }
0x76: {  	_ =	swait.ge [sflag:s16], $0x100  }
0x77: {  	[sflag:s16] =	ssyncset.done $0x0  }
0x78: {  	[sflag:s16] =	ssyncadd.s32 $0xFFFFFF00  }
0x79: {  	_ =	swait.ge [sflag:s16], $0x100  }
0x7a: {  	[sflag:s16] =	ssyncset.done $0x0  }
0x7b: {  	[sflag:s16] =	ssyncadd.s32 $0xFFFFFF00  }
0x7c: {  	_ =	swait.ge [sflag:s16], $0x100  }
0x7d: {  	[sflag:s16] =	ssyncset.done $0x0  }
0x7e: {  	[sflag:s16] =	ssyncadd.s32 $0xFFFFFF00  }
0x7f: {  	_ =	swait.ge [sflag:s16], $0x100  }
0x80: {  	[sflag:s16] =	ssyncset.done $0x0  }
0x81: {  	[sflag:s16] =	ssyncadd.s32 $0xFFFFFF00  }
0x82: {  	_ =	swait.ge [sflag:s16], $0x100  }
0x83: {  	[sflag:s16] =	ssyncset.done $0x0  }
0x84: {  	[sflag:s16] =	ssyncadd.s32 $0xFFFFFF00  }
0x85: {  	_ =	swait.ge [sflag:s16], $0x100  }
0x86: {  	[sflag:s16] =	ssyncset.done $0x0  }
0x87: {  	[sflag:s16] =	ssyncadd.s32 $0xFFFFFF00  }
0x88: {  	_ =	swait.ge [sflag:s16], $0x100  }
0x89: {  	[sflag:s16] =	ssyncset.done $0x0  }
0x8a: {  	[sflag:s16] =	ssyncadd.s32 $0xFFFFFF00  }
0x8b: {  	_ =	swait.ge [sflag:s16], $0x100  }
0x8c: {  	[sflag:s16] =	ssyncset.done $0x0  }
0x8d: {  	[sflag:s16] =	ssyncadd.s32 $0xFFFFFF00  }
0x8e: {  	_ =	swait.ge [sflag:s16], $0x100  }
0x8f: {  	[sflag:s16] =	ssyncset.done $0x0  }
0x90: {  	[sflag:s16] =	ssyncadd.s32 $0xFFFFFF00  }
0x91: {  	_ =	swait.ge [sflag:s16], $0x100  }
0x92: {  	[sflag:s16] =	ssyncset.done $0x0  }
0x93: {  	[sflag:s16] =	ssyncadd.s32 $0xFFFFFF00  }
0x94: {  	_ =	swait.ge [sflag:s16], $0x100  }
0x95: {  	[sflag:s16] =	ssyncset.done $0x0  }
0x96: {  	[sflag:s16] =	ssyncadd.s32 $0xFFFFFF00  }
0x97: {  	_ =	swait.ge [sflag:s16], $0x100  }
0x98: {  	[sflag:s16] =	ssyncset.done $0x0  }
0x99: {  	[sflag:s16] =	ssyncadd.s32 $0xFFFFFF00  }
0x9a: {  	_ =	swait.ge [sflag:s16], $0x100  }
0x9b: {  	[sflag:s16] =	ssyncset.done $0x0  }
0x9c: {  	[sflag:s16] =	ssyncadd.s32 $0xFFFFFF00  }
0x9d: {  	_ =	swait.ge [sflag:s16], $0x100  }
0x9e: {  	[sflag:s16] =	ssyncset.done $0x0  }
0x9f: {  	[sflag:s16] =	ssyncadd.s32 $0xFFFFFF00  }
0xa0: {  	_ =	swait.ge [sflag:s16], $0x100  }
0xa1: {  	p0 =	sne.s32 s20, $0x78000;
	[sflag:s16] =	ssyncset.done $0x0  }
.Ltmp0:
0xa2: {  	[sflag:s16] =	ssyncadd.s32 $0xFFFFFF00;
	(pc) =	sbr.rel @p0 .LBB2_2-.Ltmp0, $4  }
0xa3: {  	[hbm4b:s19+s2] =	stream.linear.scatter [tilespmem:s8], [sflag:$0x2], $0x1000, $0x38;
	[tilespmem:$0x1100] =	vst v63  }
0xa4: {  	_ =	swait.ge [sflag:s7], $0x1000  }
0xa5: {  	s18 =	sadd.s32 $0x20, s18;
	[sflag:s7] =	ssyncset.done $0x0  }
0xa6: {  	s20 =	sadd.s32 $0x8000, s20;
	s19 =	sadd.s32 $0x200, s19;
	[sflag:s7] =	ssyncadd.s32 $0xFFFFF000  }
0xa7: {  	s17 =	sadd.s32 $0x1, s17  }
0xa8: {  	p0 =	sne.s32 s17, s4  }
.Ltmp1:
0xa9: {  	_ = 	snop;
	(pc) =	sbr.rel @p0 .LBB2_1-.Ltmp1, $1  }
0xaa: {  	_ =	sdelay $0x3  }
0xab: {  	_ =	sfence.sel $0x180000  }
0xac: {  	[bflag:$0x0] =	sbarrier.arrive $0xFFFF  }
0xad: {  	p0 =	sne.s32 s1, $0x0;
	_ =	strace $0x9000004A  }
0xae: {  	s0 =	sadd.s32 @!p0 $0x100000, s0;
	[bflag:$0x2] =	sbarrier.arrive $0xFFFF  }
0xaf: {  	[sflag:s0] =	ssyncadd.tile.s32 @!p0 $0x1;
	_ =	shalt  }
.Lfunc_end2:
_tile_overlayer_lowered:
.L_overlay_start_2:
0xb0: {  	(tag) =	ssettag $0x2  }
0xb1: {  	s0 =	rddreg [dreg:$0x0];
	s2 =	stileid.u32  }
0xb2: {  	s1 =	rddreg [dreg:$0x1];
	p0 =	sne.s32 s2, $0x0  }
0xb3: {  	s3 =	rddreg [dreg:$0x2];
	[bflag:$0x3] =	sbarrier.arrive $0xFFFF;
	s2 =	simm.s32 @!p0 $0x1C02  }
0xb4: {  	[timem:s3], [sflag:s2] =	dma.local @!p0 [hbm:s0], s1  }
0xb5: {  	s0 =	simm.s32 @!p0 $0x2  }
0xb6: {  	_ =	swait.ge @!p0 [sflag:s0], s1  }
0xb7: {  	s1 =	ssub.s32 @!p0 $0x0, s1;
	[sflag:s0] =	ssyncset.done @!p0 $0x0  }
0xb8: {  	[sflag:s0] =	ssyncadd.s32 @!p0 s1  }
0xb9: {  	[bflag:$0x3] =	sbarrier.arrive $0xFFFF  }
0xba: {  	_ =	shalt  }

// kernel: kernel.7.cloned.1.call-start
scs
__scs_entry_jumppad:
0x0: {  	(pc) =	sbr.rel $0x88, $3  }
0x1: {  	(tag) =	ssettag $0x0;
	lr =	simm.s32 $0x1  }
0x2: {  	[smem:$0x3F9C] =	sst lr;
	_ =	strace $0xD0000000  }
0x3: {  	_ = 	snop  }
0x4: {  	_ = 	snop  }
0x5: {  	_ = 	snop  }
0x6: {  	_ = 	snop  }
0x7: {  	_ = 	snop  }
__scs_overlays_trampoline_lowered:
0x8: {  	[smem:$0x3FAB] =	sst s0  }
0x9: {  	[smem:$0x3FAC] =	sst s1  }
0xa: {  	[smem:$0x3FAD] =	sst s2  }
0xb: {  	[smem:$0x3FAE] =	sst s3  }
0xc: {  	[smem:$0x3FAF] =	sst s4  }
0xd: {  	[smem:$0x3FB0] =	sst s5  }
0xe: {  	[smem:$0x3FB1] =	sst s6  }
0xf: {  	[smem:$0x3FB2] =	sst s7  }
0x10: {  	[smem:$0x3FB3] =	sst s8  }
0x11: {  	[smem:$0x3FB4] =	sst s9;
	s0 =	simm.s32 @!p0 $0x0  }
0x12: {  	s1 =	sld [smem:$0x3F9A];
	s0 =	simm.s32 @p0 $0x1  }
0x13: {  	[smem:$0x3FB5] =	sst s0;
	s0 =	simm.s32 @!p1 $0x0  }
0x14: {  	s2 =	sld [smem:$0x3F99];
	s0 =	simm.s32 @p1 $0x1  }
0x15: {  	[smem:$0x3FB6] =	sst s0;
	s0 =	simm.s32 @!p2 $0x0  }
0x16: {  	s3 =	sld [smem:$0x3FDB];
	s0 =	simm.s32 @p2 $0x1  }
0x17: {  	s4 =	simm.s32 $0x1BF5;
	[smem:$0x3FB8] =	sst s0  }
0x18: {  	s0 =	sld [smem:$0x3F9B];
	_ =	swait.ge [sflag:s4], $0x0  }
0x19: {  	s7 =	sld [smem:$0x3F9C]  }
0x1a: {  	s8 =	sadd.s32 $0xFFFFE003, lr  }
0x1b: {  	s9 =	sadd.s32 $0xFFFFFEF7, lr;
	s5 =	simm.s32 $0xFFFFFFFF;
	p2 =	slt.u32 s8, $0xFFFFF086  }
0x1c: {  	p1 =	slt.u32 s9, $0xF7A;
	s5 =	simm.s32 @!p2 $0x0  }
0x1d: {  	s5 =	simm.s32 @p1 $0x1;
	p0 =	seq.s32 s7, s2  }
0x1e: {  	s7 =	smul.u32 @!p0 $0xF7A, s2;
	p2 =	seq.s32 @!p0 s5, $0x0  }
0x1f: {  	s9 =	smul.u32 $0xF7A, s1;
	s8 =	simm.s32 @!p0 $0x1BF5;
	p2 =	por !p2, p0  }
0x20: {  	[sflag:s8] =	ssyncset.s32 @!p0 $0xFFFFF086;
	s6 =	sadd.s32 @!p0 s3, s7;
	s7 =	simm.s32 @!p0 $0x108  }
0x21: {  	s3 =	sadd.s32 s3, s9;
	s6 =	sadd.s32 @!p0 $0x88, s6;
	s7 =	simm.s32 @p2 $0x1082  }
0x22: {  	[simem:s7], [sflag:s8] =	dma.local @!p0 [hbm:s6], $0xF7A  }
0x23: {  	s9 =	sor.u32 $0xD0000000, s2;
	s6 =	simm.s32 $0x108;
	_ =	swait.ge @!p0 [sflag:s8], $0x0  }
0x24: {  	s3 =	sadd.s32 $0x88, s3;
	s6 =	simm.s32 @!p1 $0x1082;
	[sflag:s4] =	ssyncset.s32 $0xFFFFF086  }
0x25: {  	[simem:s6], [sflag:s4] =	dma.local [hbm:s3], $0xF7A  }
0x26: {  	[smem:$0x3F9C] =	sst s1;
	(tag) =	ssettag s2;
	_ =	strace s9  }
0x27: {  	s1 =	sld [smem:$0x3FAC]  }
0x28: {  	s2 =	sld [smem:$0x3FAD]  }
0x29: {  	s4 =	sld [smem:$0x3FAF]  }
0x2a: {  	p0 =	seq.s32 s5, $0x0;
	s5 =	sld [smem:$0x3FB0]  }
0x2b: {  	s6 =	sld [smem:$0x3FB1]  }
0x2c: {  	s7 =	sld [smem:$0x3FB2]  }
0x2d: {  	s3 =	simm.s32 $0x108;
	s8 =	sld [smem:$0x3FB3]  }
0x2e: {  	s3 =	simm.s32 @!p0 $0x1082;
	s9 =	sld [smem:$0x3FB4]  }
0x2f: {  	lr =	sadd.s32 s0, s3;
	s0 =	sld [smem:$0x3FAB]  }
0x30: {  	s3 =	sld [smem:$0x3FAE]  }
0x31: {  	[smem:$0x3FB7] =	sst s10  }
0x32: {  	s10 =	sld [smem:$0x3FB5];
	_ =	sdelay $0x3  }
0x33: {  	p0 =	seq.s32 s10, $0x1;
	s10 =	sld [smem:$0x3FB7];
	_ =	sdelay $0x3  }
0x34: {  	[smem:$0x3FB7] =	sst s10  }
0x35: {  	s10 =	sld [smem:$0x3FB6];
	_ =	sdelay $0x3  }
0x36: {  	p1 =	seq.s32 s10, $0x1;
	s10 =	sld [smem:$0x3FB7];
	_ =	sdelay $0x3  }
0x37: {  	[smem:$0x3FB7] =	sst s10  }
0x38: {  	s10 =	sld [smem:$0x3FB8]  }
0x39: {  	_ = 	snop;
	(pc) =	sbr.ind lr, $3  }
0x3a: {  	_ = 	snop  }
0x3b: {  	_ = 	snop  }
0x3c: {  	p2 =	seq.s32 s10, $0x1;
	s10 =	sld [smem:$0x3FB7]  }
0x3d: {  	_ =	shalt  }
0x3e: {  	_ =	shalt  }
0x3f: {  	_ =	shalt  }
0x40: {  	_ =	shalt  }
0x41: {  	_ =	shalt  }
0x42: {  	_ =	shalt  }
0x43: {  	_ =	shalt  }
0x44: {  	_ =	shalt  }
0x45: {  	_ =	shalt  }
0x46: {  	_ =	shalt  }
0x47: {  	_ =	shalt  }
0x48: {  	_ =	shalt  }
0x49: {  	_ =	shalt  }
0x4a: {  	_ =	shalt  }
0x4b: {  	_ =	shalt  }
0x4c: {  	_ =	shalt  }
0x4d: {  	_ =	shalt  }
0x4e: {  	_ =	shalt  }
0x4f: {  	_ =	shalt  }
0x50: {  	_ =	shalt  }
0x51: {  	_ =	shalt  }
0x52: {  	_ =	shalt  }
0x53: {  	_ =	shalt  }
0x54: {  	_ =	shalt  }
0x55: {  	_ =	shalt  }
0x56: {  	_ =	shalt  }
0x57: {  	_ =	shalt  }
0x58: {  	_ =	shalt  }
0x59: {  	_ =	shalt  }
0x5a: {  	_ =	shalt  }
0x5b: {  	_ =	shalt  }
0x5c: {  	_ =	shalt  }
0x5d: {  	_ =	shalt  }
0x5e: {  	_ =	shalt  }
0x5f: {  	_ =	shalt  }
0x60: {  	_ =	shalt  }
0x61: {  	_ =	shalt  }
0x62: {  	_ =	shalt  }
0x63: {  	_ =	shalt  }
0x64: {  	_ =	shalt  }
0x65: {  	_ =	shalt  }
0x66: {  	_ =	shalt  }
0x67: {  	_ =	shalt  }
0x68: {  	_ =	shalt  }
0x69: {  	_ =	shalt  }
0x6a: {  	_ =	shalt  }
0x6b: {  	_ =	shalt  }
0x6c: {  	_ =	shalt  }
0x6d: {  	_ =	shalt  }
0x6e: {  	_ =	shalt  }
0x6f: {  	_ =	shalt  }
0x70: {  	_ =	shalt  }
0x71: {  	_ =	shalt  }
0x72: {  	_ =	shalt  }
0x73: {  	_ =	shalt  }
0x74: {  	_ =	shalt  }
0x75: {  	_ =	shalt  }
0x76: {  	_ =	shalt  }
0x77: {  	_ =	shalt  }
0x78: {  	_ =	shalt  }
0x79: {  	_ =	shalt  }
0x7a: {  	_ =	shalt  }
0x7b: {  	_ =	shalt  }
0x7c: {  	_ =	shalt  }
0x7d: {  	_ =	shalt  }
0x7e: {  	_ =	shalt  }
0x7f: {  	_ =	shalt  }
0x80: {  	_ =	shalt  }
0x81: {  	_ =	shalt  }
0x82: {  	_ =	shalt  }
0x83: {  	_ =	shalt  }
0x84: {  	_ =	shalt  }
0x85: {  	_ =	shalt  }
0x86: {  	_ =	shalt  }
0x87: {  	_ =	shalt  }
.Lfunc_end0:
.L_simem_size_0:
called_computation.1_lowered:
.L_overlay_start_0:
0x88: {  	s2 =	sld [smem:$0x3FD9]  }
0x89: {  	s3 =	sld [smem:$0x3FFE];
	_ =	sdelay $0x1  }
0x8a: {  	s1 =	srdreg.scid  }
0x8b: {  	s0 =	sand.u32 $0x1, s1  }
0x8c: {  	s17 =	sshll.u32 s0, $0xA;
	s2 =	sadd.s32 s3, s2  }
0x8d: {  	s2 =	sadd.s32 s2, s17  }
0x8e: {  	[smem:$0x3FC3] =	sst s2  }
0x8f: {  	_ = 	snop  }
0x90: {  	s18 =	sld [smem:$0x3FC9];
	(tm) =	ssettm $0x1  }
0x91: {  	s19 =	sld [smem:$0x3FFB];
	_ =	sdelay $0x3  }
0x92: {  	_ =	strace s19  }
0x93: {  	s2 =	sld [smem:$0x3FFC];
	_ =	sdelay $0x3  }
0x94: {  	_ =	strace s2  }
0x95: {  	s2 =	sld [smem:$0x3FFD];
	_ =	sdelay $0x3  }
0x96: {  	_ =	strace s2  }
0x97: {  	_ =	strace $0x8FFFFFFF  }
0x98: {  	s20 =	sld [smem:$0x3FDB];
	_ =	sdelay $0x1  }
0x99: {  	s4 =	simm.s32 $_scs_section_size  }
0x9a: {  	s5 =	simm.s32 $_size__tile_overlayer_lowered;
	s6 =	simm.s32 $_tile_overlayer_lowered  }
0x9b: {  	s7 =	simm.s32 $0x1BFF;
	s21 =	sshll.u32 s6, $0x1;
	s4 =	sadd.s32 s4, s20  }
0x9c: {  	s22 =	simm.s32 $0x0;
	s5 =	sshll.u32 s5, $0x1;
	s6 =	sadd.s32 s21, s4  }
0x9d: {  	[timem:s22], [sflag:s7] =	dma.local [hbm:s6], s5  }
0x9e: {  	_ =	swait.ge [sflag:s7], s5  }
0x9f: {  	s5 =	ssub.s32 $0x0, s5;
	[sflag:s7] =	ssyncset.done $0x0  }
0xa0: {  	[sflag:s7] =	ssyncadd.s32 s5;
	_ =	sdelay $0x1  }
0xa1: {  	s23 =	simm.s32 $0x1B8B  }
0xa2: {  	_ =	swait.ge [sflag:s23], $0x1  }
0xa3: {  	[sflag:s23] =	ssyncset.done $0x0  }
0xa4: {  	[sflag:s23] =	ssyncadd.s32 $0xFFFFFFFF  }
0xa5: {  	s5 =	sld [smem:$0x0]  }
0xa6: {  	s6 =	sand.u32 $0xFFFFFFFE, s1  }
0xa7: {  	p0 =	sne.s32 s1, s6  }
0xa8: {  	s6 =	sshll.u32 @p0 s6, $0xE  }
0xa9: {  	s6 =	sadd.s32 @p0 $0x11B8D, s6;
	s7 =	sshll.u32 @p0 s5, $0x11  }
0xaa: {  	s6 =	sor.u32 @p0 s7, s6  }
0xab: {  	[sflag:s6] =	ssyncadd.remote.s32 @p0 $0x1;
	_ =	sdelay $0x1  }
0xac: {  	s6 =	simm.s32 @p0 $0x1B8D  }
0xad: {  	_ =	swait.eq @p0 [sflag:s6], $0x1  }
0xae: {  	[sflag:s6] =	ssyncadd.s32 @p0 $0xFFFFFFFF  }
0xaf: {  	s7 =	sshll.u32 @!p0 s1, $0xE  }
0xb0: {  	s7 =	sor.u32 @!p0 $0x4000, s7;
	s6 =	simm.s32 @!p0 $0x1B8D  }
0xb1: {  	s5 =	sshll.u32 @!p0 s5, $0x11;
	s7 =	sadd.s32 @!p0 $0x11B8D, s7;
	_ =	swait.eq @!p0 [sflag:s6], $0x1  }
0xb2: {  	s5 =	sor.u32 @!p0 s5, s7;
	[sflag:s6] =	ssyncadd.s32 @!p0 $0xFFFFFFFF  }
0xb3: {  	s25 =	simm.s32 $0x1B8E;
	s24 =	sld [smem:$0x3FFE];
	[sflag:s5] =	ssyncadd.remote.s32 @!p0 $0x1  }
0xb4: {  	s26 =	simm.s32 $execute0_lowered;
	[smem:$0x3FD2] =	sst s25  }
0xb5: {  	s6 =	sshll.u32 s26, $0x1;
	_ =	strace $0x8000004C;
	[dreg:$0x1] =	wrdreg $0xFFFFFFFF  }
0xb6: {  	s28 =	simm.s32 $_size_execute0_lowered;
	s4 =	sadd.s32 s4, s6;
	[dreg:$0x0] =	wrdreg $0x0  }
0xb7: {  	s6 =	sshll.u32 s28, $0x1;
	[dreg:$0x2] =	wrdreg s4  }
0xb8: {  	[dreg:$0x3] =	wrdreg s6  }
0xb9: {  	[dreg:$0x4] =	wrdreg $0xC0  }
0xba: {  	_ =	task [dreg:s22], $0x5FFFF  }
0xbb: {  	[dreg:$0x1] =	wrdreg $0xFFFFFFFF  }
0xbc: {  	[dreg:$0x0] =	wrdreg $0x60  }
0xbd: {  	[dreg:$0x2] =	wrdreg s18  }
0xbe: {  	[dreg:$0x3] =	wrdreg s24  }
0xbf: {  	[dreg:$0x4] =	wrdreg $0x9  }
0xc0: {  	_ =	task.clear_ibuf [dreg:s22], $0x5FFFF;
	_ =	strace $0x9000004C  }
0xc1: {  	s29 =	simm.s32 $0x9;
	_ =	strace $0x8000004E  }
0xc2: {  	_ =	swait.ge [sflag:s29], $0x1  }
0xc3: {  	[sflag:s29] =	ssyncadd.s32 $0xFFFFFFFF  }
0xc4: {  	_ =	strace $0x9000004E  }
0xc5: {  	_ =	sfence  }
0xc6: {  	s30 =	sld [smem:$0x0];
	_ =	sdelay $0x2  }
0xc7: {  	s31 =	sshll.u32 s1, $0xD;
	s1 =	sshrl.u32 s1, $0x2  }
0xc8: {  	s4 =	sand.u32 $0x4000, s31;
	s1 =	sadd.s32 s1, s30  }
0xc9: {  	s0 =	sor.u32 s4, s0;
	s1 =	sshll.u32 s1, $0x11  }
0xca: {  	s0 =	sor.u32 s1, s0  }
0xcb: {  	s0 =	sadd.s32 $0x8F2B, s0  }
0xcc: {  	[sflag:s0] =	ssyncadd.remote.s32 $0x1  }
0xcd: {  	_ =	sfence.sel $0xFFFF  }
0xce: {  	[dreg:$0x0] =	wrdreg $0xFFFFFFFF;
	(pc) =	sbr.abs _section_cstart, $3  }
0xcf: {  	[dreg:$0x1] =	wrdreg $0xFFFFFFFF  }
0xd0: {  	_ =	task.clear_ibuf [dreg:s22], $0x2FFFF;
	_ =	strace $0x9FFFFFFF  }
0xd1: {  	(tm) =	ssettm $0x7FFFFFFF  }
tec
execute0_lowered:
.L_overlay_start_1:
0x0: {  	(tag) =	ssettag $0x1  }
0x1: {  	s1 =	rddreg [dreg:$0x0]  }
0x2: {  	s4 =	rddreg [dreg:$0x1]  }
0x3: {  	s0 =	rddreg [dreg:$0x2];
	s5 =	srdreg.scid  }
0x4: {  	s3 =	simm.s32 $0x0;
	s2 =	stileid.u32;
	s10 =	simm.s32 $0x1100  }
0x5: {  	s11 =	simm.s32 $0x1900;
	s12 =	simm.s32 $0x2100;
	s13 =	simm.s32 $0x2900  }
0x6: {  	s14 =	simm.s32 $0x3100;
	s15 =	simm.s32 $0x3900;
	s16 =	simm.s32 $0x4100  }
0x7: {  	s17 =	simm.s32 $0x4900;
	s18 =	simm.s32 $0x5100;
	s19 =	simm.s32 $0x5900  }
0x8: {  	s20 =	simm.s32 $0x6100;
	s21 =	simm.s32 $0x6900;
	s22 =	simm.s32 $0x7100  }
0x9: {  	s23 =	simm.s32 $0x7900;
	s24 =	simm.s32 $0x1;
	s25 =	simm.s32 $0x0  }
0xa: {  	s5 =	sand.u32 $0x1, s5;
	[smem:$0x7FF] =	sst s3;
	s6 =	sshll.u32 s2, $0xD  }
0xb: {  	s8 =	sshll.u32 s2, $0x11;
	s7 =	sshll.u32 s5, $0xC;
	_ =	strace $0x8000004D  }
0xc: {  	s31 =	ssub.s32 $0x2, s5;
	s8 =	sadd.s32 s8, s4;
	s5 =	sshll.u32 s5, $0x10  }
0xd: {  	s6 =	sor.u32 s7, s6;
	s9 =	sshrl.u32 s31, $0x1;
	s5 =	sadd.s32 s5, s8  }
0xe: {  	s8 =	simm.s32 $0x100;
	s6 =	sshrl.u32 s6, $0x3;
	s7 =	ssub.s32 s31, s9  }
0xf: {  	s5 =	sadd.s32 $0x404A00, s5;
	s9 =	simm.s32 $0x900;
	s6 =	sadd.s32 s6, s4  }
0x10: {  	vm0 =	vmmov $0xffff;
	s4 =	smax.u32 s7, $0x1;
	s7 =	simm.s32 $0x2;
	s6 =	sadd.s32 $0xA00, s6  }
.LBB2_1:
0x11: {  	s26 =	smov.u32 s5;
	s28 =	simm.s32 $0x0  }
.LBB2_2:
0x12: {  	s29 =	sadd.s32 s28, s6  }
0x13: {  	[tilespmem:s3], [sflag:$0x2] =	stream.linear.gather [hbm4b:s29+s3], $0x100, $0x38;
	[tilespmem:$0x8100] =	vst v63  }
0x14: {  	_ =	swait.ge [sflag:s7], $0x100  }
0x15: {  	[sflag:s7] =	ssyncset.done $0x0  }
0x16: {  	[sflag:s7] =	ssyncadd.s32 $0xFFFFFF00  }
0x17: {  	v0 =	vld [tilespmem:$0x0];
	_ =	sdelay $0x7  }
0x18: {  	[tilespmem:s8], [sflag:$0x1] =	stream.indirect_vreg.gather [hbm4b:s1+s3], $0x80, v0, vm0, $0xb8;
	[tilespmem:$0x8100] =	vst v63  }
0x19: {  	v0 =	vld [tilespmem:$0x10];
	_ =	sdelay $0x7  }
0x1a: {  	[tilespmem:s9], [sflag:$0x1] =	stream.indirect_vreg.gather [hbm4b:s1+s3], $0x80, v0, vm0, $0xb8;
	[tilespmem:$0x8100] =	vst v63  }
0x1b: {  	v0 =	vld [tilespmem:$0x20];
	_ =	sdelay $0x7  }
0x1c: {  	[tilespmem:s10], [sflag:$0x1] =	stream.indirect_vreg.gather [hbm4b:s1+s3], $0x80, v0, vm0, $0xb8;
	[tilespmem:$0x8100] =	vst v63  }
0x1d: {  	v0 =	vld [tilespmem:$0x30];
	_ =	sdelay $0x7  }
0x1e: {  	[tilespmem:s11], [sflag:$0x1] =	stream.indirect_vreg.gather [hbm4b:s1+s3], $0x80, v0, vm0, $0xb8;
	[tilespmem:$0x8100] =	vst v63  }
0x1f: {  	v0 =	vld [tilespmem:$0x40];
	_ =	sdelay $0x7  }
0x20: {  	[tilespmem:s12], [sflag:$0x1] =	stream.indirect_vreg.gather [hbm4b:s1+s3], $0x80, v0, vm0, $0xb8;
	[tilespmem:$0x8100] =	vst v63  }
0x21: {  	v0 =	vld [tilespmem:$0x50];
	_ =	sdelay $0x7  }
0x22: {  	[tilespmem:s13], [sflag:$0x1] =	stream.indirect_vreg.gather [hbm4b:s1+s3], $0x80, v0, vm0, $0xb8;
	[tilespmem:$0x8100] =	vst v63  }
0x23: {  	v0 =	vld [tilespmem:$0x60];
	_ =	sdelay $0x7  }
0x24: {  	[tilespmem:s14], [sflag:$0x1] =	stream.indirect_vreg.gather [hbm4b:s1+s3], $0x80, v0, vm0, $0xb8;
	[tilespmem:$0x8100] =	vst v63  }
0x25: {  	v0 =	vld [tilespmem:$0x70];
	_ =	sdelay $0x7  }
0x26: {  	[tilespmem:s15], [sflag:$0x1] =	stream.indirect_vreg.gather [hbm4b:s1+s3], $0x80, v0, vm0, $0xb8;
	[tilespmem:$0x8100] =	vst v63  }
0x27: {  	v0 =	vld [tilespmem:$0x80];
	_ =	sdelay $0x7  }
0x28: {  	[tilespmem:s16], [sflag:$0x1] =	stream.indirect_vreg.gather [hbm4b:s1+s3], $0x80, v0, vm0, $0xb8;
	[tilespmem:$0x8100] =	vst v63  }
0x29: {  	v0 =	vld [tilespmem:$0x90];
	_ =	sdelay $0x7  }
0x2a: {  	[tilespmem:s17], [sflag:$0x1] =	stream.indirect_vreg.gather [hbm4b:s1+s3], $0x80, v0, vm0, $0xb8;
	[tilespmem:$0x8100] =	vst v63  }
0x2b: {  	v0 =	vld [tilespmem:$0xA0];
	_ =	sdelay $0x7  }
0x2c: {  	[tilespmem:s18], [sflag:$0x1] =	stream.indirect_vreg.gather [hbm4b:s1+s3], $0x80, v0, vm0, $0xb8;
	[tilespmem:$0x8100] =	vst v63  }
0x2d: {  	v0 =	vld [tilespmem:$0xB0];
	_ =	sdelay $0x7  }
0x2e: {  	[tilespmem:s19], [sflag:$0x1] =	stream.indirect_vreg.gather [hbm4b:s1+s3], $0x80, v0, vm0, $0xb8;
	[tilespmem:$0x8100] =	vst v63  }
0x2f: {  	v0 =	vld [tilespmem:$0xC0];
	_ =	sdelay $0x7  }
0x30: {  	[tilespmem:s20], [sflag:$0x1] =	stream.indirect_vreg.gather [hbm4b:s1+s3], $0x80, v0, vm0, $0xb8;
	[tilespmem:$0x8100] =	vst v63  }
0x31: {  	v0 =	vld [tilespmem:$0xD0];
	_ =	sdelay $0x7  }
0x32: {  	[tilespmem:s21], [sflag:$0x1] =	stream.indirect_vreg.gather [hbm4b:s1+s3], $0x80, v0, vm0, $0xb8;
	[tilespmem:$0x8100] =	vst v63  }
0x33: {  	v0 =	vld [tilespmem:$0xE0];
	_ =	sdelay $0x7  }
0x34: {  	[tilespmem:s22], [sflag:$0x1] =	stream.indirect_vreg.gather [hbm4b:s1+s3], $0x80, v0, vm0, $0xb8;
	[tilespmem:$0x8100] =	vst v63  }
0x35: {  	v0 =	vld [tilespmem:$0xF0];
	_ =	sdelay $0x7  }
0x36: {  	[tilespmem:s23], [sflag:$0x1] =	stream.indirect_vreg.gather [hbm4b:s1+s3], $0x80, v0, vm0, $0xb8;
	[tilespmem:$0x8100] =	vst v63  }
0x37: {  	_ =	swait.ge [sflag:s24], $0x800  }
0x38: {  	[sflag:s24] =	ssyncset.done $0x0  }
0x39: {  	[sflag:s24] =	ssyncadd.s32 $0xFFFFF800  }
0x3a: {  	_ =	swait.ge [sflag:s24], $0x800  }
0x3b: {  	[sflag:s24] =	ssyncset.done $0x0  }
0x3c: {  	[sflag:s24] =	ssyncadd.s32 $0xFFFFF800  }
0x3d: {  	_ =	swait.ge [sflag:s24], $0x800  }
0x3e: {  	[sflag:s24] =	ssyncset.done $0x0  }
0x3f: {  	[sflag:s24] =	ssyncadd.s32 $0xFFFFF800  }
0x40: {  	_ =	swait.ge [sflag:s24], $0x800  }
0x41: {  	[sflag:s24] =	ssyncset.done $0x0  }
0x42: {  	[sflag:s24] =	ssyncadd.s32 $0xFFFFF800  }
0x43: {  	_ =	swait.ge [sflag:s24], $0x800  }
0x44: {  	[sflag:s24] =	ssyncset.done $0x0  }
0x45: {  	[sflag:s24] =	ssyncadd.s32 $0xFFFFF800  }
0x46: {  	_ =	swait.ge [sflag:s24], $0x800  }
0x47: {  	[sflag:s24] =	ssyncset.done $0x0  }
0x48: {  	[sflag:s24] =	ssyncadd.s32 $0xFFFFF800  }
0x49: {  	_ =	swait.ge [sflag:s24], $0x800  }
0x4a: {  	[sflag:s24] =	ssyncset.done $0x0  }
0x4b: {  	[sflag:s24] =	ssyncadd.s32 $0xFFFFF800  }
0x4c: {  	_ =	swait.ge [sflag:s24], $0x800  }
0x4d: {  	[sflag:s24] =	ssyncset.done $0x0  }
0x4e: {  	[sflag:s24] =	ssyncadd.s32 $0xFFFFF800  }
0x4f: {  	_ =	swait.ge [sflag:s24], $0x800  }
0x50: {  	[sflag:s24] =	ssyncset.done $0x0  }
0x51: {  	[sflag:s24] =	ssyncadd.s32 $0xFFFFF800  }
0x52: {  	_ =	swait.ge [sflag:s24], $0x800  }
0x53: {  	[sflag:s24] =	ssyncset.done $0x0  }
0x54: {  	[sflag:s24] =	ssyncadd.s32 $0xFFFFF800  }
0x55: {  	_ =	swait.ge [sflag:s24], $0x800  }
0x56: {  	[sflag:s24] =	ssyncset.done $0x0  }
0x57: {  	[sflag:s24] =	ssyncadd.s32 $0xFFFFF800  }
0x58: {  	_ =	swait.ge [sflag:s24], $0x800  }
0x59: {  	[sflag:s24] =	ssyncset.done $0x0  }
0x5a: {  	[sflag:s24] =	ssyncadd.s32 $0xFFFFF800  }
0x5b: {  	_ =	swait.ge [sflag:s24], $0x800  }
0x5c: {  	[sflag:s24] =	ssyncset.done $0x0  }
0x5d: {  	[sflag:s24] =	ssyncadd.s32 $0xFFFFF800  }
0x5e: {  	_ =	swait.ge [sflag:s24], $0x800  }
0x5f: {  	[sflag:s24] =	ssyncset.done $0x0  }
0x60: {  	[sflag:s24] =	ssyncadd.s32 $0xFFFFF800  }
0x61: {  	_ =	swait.ge [sflag:s24], $0x800  }
0x62: {  	[sflag:s24] =	ssyncset.done $0x0  }
0x63: {  	[sflag:s24] =	ssyncadd.s32 $0xFFFFF800  }
0x64: {  	_ =	swait.ge [sflag:s24], $0x800  }
0x65: {  	p0 =	sne.s32 s28, $0x1E0;
	[sflag:s24] =	ssyncset.done $0x0  }
.Ltmp0:
0x66: {  	[sflag:s24] =	ssyncadd.s32 $0xFFFFF800;
	(pc) =	sbr.rel @p0 .LBB2_2-.Ltmp0, $4  }
0x67: {  	[hbm4b:s26+s3] =	stream.linear.scatter [tilespmem:s8], [sflag:$0x2], $0x8000, $0x38;
	[tilespmem:$0x8100] =	vst v63  }
0x68: {  	_ =	swait.ge [sflag:s7], $0x8000  }
0x69: {  	[sflag:s7] =	ssyncset.done $0x0  }
0x6a: {  	s28 =	sadd.s32 $0x20, s28;
	s26 =	sadd.s32 $0x1000, s26;
	[sflag:s7] =	ssyncadd.s32 $0xFFFF8000  }
0x6b: {  	s25 =	sadd.s32 $0x1, s25  }
0x6c: {  	p0 =	sne.s32 s25, s4  }
.Ltmp1:
0x6d: {  	_ = 	snop;
	(pc) =	sbr.rel @p0 .LBB2_1-.Ltmp1, $1  }
0x6e: {  	_ =	sdelay $0x3  }
0x6f: {  	_ =	sfence.sel $0x180000  }
0x70: {  	[bflag:$0x0] =	sbarrier.arrive $0xFFFF  }
0x71: {  	p0 =	sne.s32 s2, $0x0;
	_ =	strace $0x9000004D  }
0x72: {  	s0 =	sadd.s32 @!p0 $0x100000, s0;
	[bflag:$0x2] =	sbarrier.arrive $0xFFFF  }
0x73: {  	[sflag:s0] =	ssyncadd.tile.s32 @!p0 $0x1;
	_ =	shalt  }
.Lfunc_end2:
_tile_overlayer_lowered:
.L_overlay_start_2:
0x74: {  	(tag) =	ssettag $0x2  }
0x75: {  	s0 =	rddreg [dreg:$0x0];
	s2 =	stileid.u32  }
0x76: {  	s1 =	rddreg [dreg:$0x1];
	p0 =	sne.s32 s2, $0x0  }
0x77: {  	s3 =	rddreg [dreg:$0x2];
	[bflag:$0x3] =	sbarrier.arrive $0xFFFF;
	s2 =	simm.s32 @!p0 $0x1C02  }
0x78: {  	[timem:s3], [sflag:s2] =	dma.local @!p0 [hbm:s0], s1  }
0x79: {  	s0 =	simm.s32 @!p0 $0x2  }
0x7a: {  	_ =	swait.ge @!p0 [sflag:s0], s1  }
0x7b: {  	s1 =	ssub.s32 @!p0 $0x0, s1;
	[sflag:s0] =	ssyncset.done @!p0 $0x0  }
0x7c: {  	[sflag:s0] =	ssyncadd.s32 @!p0 s1  }
0x7d: {  	[bflag:$0x3] =	sbarrier.arrive $0xFFFF  }
0x7e: {  	_ =	shalt  }

// kernel: sparse-core-data-format-call.cloned.1.call-start
scs
called_computation_lowered:
.L_overlay_start_0:
0x0: {  	s1 =	sld [smem:$0x3FD9]  }
0x1: {  	s2 =	sld [smem:$0x3FFE];
	_ =	sdelay $0x1  }
0x2: {  	s3 =	srdreg.scid  }
0x3: {  	s0 =	sand.u32 $0x1, s3  }
0x4: {  	s17 =	sshll.u32 s0, $0xA;
	s1 =	sadd.s32 s2, s1  }
0x5: {  	s1 =	sadd.s32 s1, s17  }
0x6: {  	[smem:$0x3FC3] =	sst s1  }
0x7: {  	_ = 	snop  }
0x8: {  	(tm) =	ssettm $0x1  }
0x9: {  	s18 =	sld [smem:$0x3FFB];
	_ =	sdelay $0x3  }
0xa: {  	_ =	strace s18  }
0xb: {  	s1 =	sld [smem:$0x3FFC];
	_ =	sdelay $0x3  }
0xc: {  	_ =	strace s1  }
0xd: {  	s1 =	sld [smem:$0x3FFD];
	_ =	sdelay $0x3  }
0xe: {  	_ =	strace s1  }
0xf: {  	_ =	strace $0x8FFFFFFF  }
0x10: {  	s19 =	sld [smem:$0x3FDB];
	_ =	sdelay $0x1  }
0x11: {  	s20 =	simm.s32 $_scs_section_size  }
0x12: {  	s4 =	simm.s32 $_size__tile_overlayer_lowered;
	s5 =	simm.s32 $_tile_overlayer_lowered  }
0x13: {  	s23 =	simm.s32 $0x1BFF;
	s22 =	sshll.u32 s5, $0x1;
	s1 =	sadd.s32 s20, s19  }
0x14: {  	s6 =	simm.s32 $0x0;
	s21 =	sshll.u32 s4, $0x1;
	s4 =	sadd.s32 s22, s1  }
0x15: {  	[timem:s6], [sflag:s23] =	dma.local [hbm:s4], s21  }
0x16: {  	_ =	swait.ge [sflag:s23], s21  }
0x17: {  	s2 =	ssub.s32 $0x0, s21;
	[sflag:s23] =	ssyncset.done $0x0  }
0x18: {  	[sflag:s23] =	ssyncadd.s32 s2;
	_ =	sdelay $0x1  }
0x19: {  	s24 =	simm.s32 $0x1B8B  }
0x1a: {  	_ =	swait.ge [sflag:s24], $0x1  }
0x1b: {  	[sflag:s24] =	ssyncset.done $0x0  }
0x1c: {  	s26 =	simm.s32 $0x1B8E;
	s25 =	sld [smem:$0x3FFE];
	[sflag:s24] =	ssyncadd.s32 $0xFFFFFFFF  }
0x1d: {  	s27 =	simm.s32 $execute0_lowered;
	[smem:$0x3FD2] =	sst s26  }
0x1e: {  	s4 =	sshll.u32 s27, $0x1;
	_ =	strace $0x80000046;
	[dreg:$0x1] =	wrdreg $0xFFFFFFFF  }
0x1f: {  	s28 =	simm.s32 $_size_execute0_lowered;
	s1 =	sadd.s32 s1, s4;
	[dreg:$0x0] =	wrdreg $0x0  }
0x20: {  	s4 =	sshll.u32 s28, $0x1;
	[dreg:$0x2] =	wrdreg s1  }
0x21: {  	[dreg:$0x3] =	wrdreg s4  }
0x22: {  	[dreg:$0x4] =	wrdreg $0xC0  }
0x23: {  	_ =	task [dreg:s6], $0x5FFFF  }
0x24: {  	[dreg:$0x1] =	wrdreg $0xFFFFFFFF  }
0x25: {  	[dreg:$0x0] =	wrdreg $0x60  }
0x26: {  	[dreg:$0x2] =	wrdreg s25  }
0x27: {  	[dreg:$0x3] =	wrdreg $0x9  }
0x28: {  	_ =	task.clear_ibuf [dreg:s6], $0x4FFFF;
	_ =	strace $0x90000046  }
0x29: {  	s29 =	simm.s32 $0x9;
	_ =	strace $0x80000048  }
0x2a: {  	_ =	swait.ge [sflag:s29], $0x1  }
0x2b: {  	[sflag:s29] =	ssyncadd.s32 $0xFFFFFFFF  }
0x2c: {  	_ =	strace $0x90000048  }
0x2d: {  	_ =	sfence  }
0x2e: {  	s30 =	sld [smem:$0x0];
	_ =	sdelay $0x2  }
0x2f: {  	s31 =	sshll.u32 s3, $0xD;
	s3 =	sshrl.u32 s3, $0x2  }
0x30: {  	s2 =	sand.u32 $0x4000, s31;
	s1 =	sadd.s32 s3, s30  }
0x31: {  	s0 =	sor.u32 s2, s0;
	s1 =	sshll.u32 s1, $0x11  }
0x32: {  	s0 =	sor.u32 s1, s0  }
0x33: {  	s0 =	sadd.s32 $0x8F2B, s0  }
0x34: {  	[sflag:s0] =	ssyncadd.remote.s32 $0x1  }
0x35: {  	_ =	sfence.sel $0xFFFF  }
0x36: {  	[dreg:$0x0] =	wrdreg $0xFFFFFFFF;
	(pc) =	sbr.abs _section_cstart, $3  }
0x37: {  	[dreg:$0x1] =	wrdreg $0xFFFFFFFF  }
0x38: {  	_ =	task.clear_ibuf [dreg:s6], $0x2FFFF;
	_ =	strace $0x9FFFFFFF  }
0x39: {  	(tm) =	ssettm $0x7FFFFFFF  }
tec
execute0_lowered:
.L_overlay_start_1:
0x0: {  	(tag) =	ssettag $0x1  }
0x1: {  	s1 =	rddreg [dreg:$0x0]  }
0x2: {  	s0 =	rddreg [dreg:$0x1]  }
0x3: {  	_ =	strace $0x80000047;
	s4 =	srdreg.scid;
	s6 =	simm.s32 $0x2  }
.Ltmp0:
0x4: {  	p0 =	por $0x0, $0x0;
	s9 =	simm.s32 $0x0;
	(pc) =	sbr.rel .LBB1_1-.Ltmp0, $4  }
0x5: {  	s2 =	sadd.s32 $0xA00, s1;
	s3 =	sadd.s32 $0x200A00, s1;
	s5 =	sshll.u32 s4, $0x4  }
0x6: {  	s1 =	stileid.u32;
	s4 =	simm.s32 $0x1;
	s5 =	sand.u32 $0x10, s5  }
0x7: {  	s7 =	simm.s32 $0x0;
	[sflag:s4] =	ssyncpa.u1 $0x0;
	s5 =	sor.u32 s1, s5  }
0x8: {  	[sflag:s6] =	ssyncpa.u1 $0x0;
	s6 =	simm.s32 $0x0;
	s8 =	smov.u32 s5  }
.LBB1_7:
0x9: {  	s11 =	sadd.s32 $0x20, s8  }
0xa: {  	p1 =	slt.u32 s7, $0x2;
	s7 =	sadd.s32 $0x1, s7;
	p2 =	sgt.s32 s11, $0x3FF  }
0xb: {  	s11 =	smov.u32 @p2 s5;
	p2 =	sne.s32 s7, $0x22  }
.Ltmp1:
0xc: {  	_ = 	snop;
	(pc) =	sbr.rel @!p2 .LBB1_8-.Ltmp1, $4  }
0xd: {  	s10 =	simm.s32 @!p1 $0x2  }
0xe: {  	_ =	swait.ge @!p1 [sflag:s10], $0x4000  }
0xf: {  	s9 =	smov.u32 s8;
	[sflag:s10] =	ssyncset.done @!p1 $0x0  }
0x10: {  	p0 =	por !p0, !p0;
	s8 =	smov.u32 s11;
	[sflag:s10] =	ssyncadd.s32 @!p1 $0xFFFFC000  }
.LBB1_1:
0x11: {  	p1 =	sgt.u32 s7, $0x1F  }
0x12: {  	s10 =	sxor.u32 @!p1 $0xFFFFFFFF, s7  }
0x13: {  	s11 =	sshll.u32 @!p1 s8, $0xB;
	s10 =	sshll.u32 @!p1 s10, $0xE  }
0x14: {  	s12 =	simm.s32 @!p1 $0x0;
	s11 =	sadd.s32 @!p1 s2, s11;
	s10 =	sand.u32 @!p1 $0x4000, s10  }
0x15: {  	[tilespmem:s10], [sflag:$0x1] =	stream.linear.gather @!p1 [hbm4b:s11+s12], $0x4000, $0x38;
	[tilespmem:$0x10000] =	vst v63  }
0x16: {  	p1 =	seq.s32 s7, $0x0  }
0x17: {  	p2 =	seq.s32 @!p1 s7, $0x21  }
0x18: {  	p1 =	por p1, p2  }
.Ltmp2:
0x19: {  	_ = 	snop;
	(pc) =	sbr.rel @p1 .LBB1_7-.Ltmp2, $1  }
0x1a: {  	_ =	sdelay $0x3  }
0x1b: {  	s10 =	simm.s32 $0x1;
	_ =	swait.ge [sflag:s4], $0x4000;
	s12 =	sshll.u32 s7, $0xE  }
0x1c: {  	s13 =	simm.s32 $0x0;
	s10 =	simm.s32 @!p0 $0x0;
	[sflag:s4] =	ssyncset.done $0x0  }
0x1d: {  	s12 =	sand.u32 $0x4000, s12;
	s11 =	sshll.u32 s10, $0xE;
	[sflag:s4] =	ssyncadd.s32 $0xFFFFC000  }
0x1e: {  	s12 =	sor.u32 $0x8000, s12;
	s10 =	sor.u32 $0x8040, s11;
	s11 =	sor.u32 $0x40, s11  }
.LBB1_3:
0x1f: {  	v0 =	vmov s11;
	_ =	sdelay $0x3  }
0x20: {  	s15 =	simm.s32 $0x0  }
0x21: {  	v6 =	vld.idx.msk [tilespmem:v0+s15+$0x30 ss:$0x1], $0xffff  }
0x22: {  	v7 =	vld.idx.msk [tilespmem:v0+s15+$0xFFFFFFC0 ss:$0x1], $0xffff  }
0x23: {  	v5 =	vld.idx.msk [tilespmem:v0+s15+$0xFFFFFFD0 ss:$0x1], $0xffff  }
0x24: {  	v4 =	vld.idx.msk [tilespmem:v0+s15+$0xFFFFFFE0 ss:$0x1], $0xffff  }
0x25: {  	v3 =	vld.idx.msk [tilespmem:v0+s15+$0xFFFFFFF0 ss:$0x1], $0xffff  }
0x26: {  	v1 =	vld.idx.msk [tilespmem:v0+s15+$0x0 ss:$0x1], $0xffff  }
0x27: {  	v2 =	vld.idx.msk [tilespmem:v0+s15+$0x10 ss:$0x1], $0xffff;
	[tilespmem:s10+$0x30] =	vst v6  }
0x28: {  	s14 =	simm.s32 $0x80;
	s16 =	simm.s32 $0x400;
	[tilespmem:s10+$0xFFFFFFC0] =	vst v7;
	v6 =	vld.idx.msk [tilespmem:v0+s15+$0x20 ss:$0x1], $0xffff;
	s15 =	smov.u32 s10  }
.LBB1_4:
0x29: {  	p1 =	sne.s32 s16, $0xE00;
	v7 =	vld.idx.msk [tilespmem:v0+s14+$0x30 ss:$0x1], $0xffff;
	[tilespmem:s15+$0xFFFFFFD0] =	vst v5  }
0x2a: {  	v8 =	vld.idx.msk [tilespmem:v0+s14+$0xFFFFFFC0 ss:$0x1], $0xffff;
	[tilespmem:s15+$0xFFFFFFE0] =	vst v4  }
0x2b: {  	v5 =	vld.idx.msk [tilespmem:v0+s14+$0xFFFFFFD0 ss:$0x1], $0xffff;
	[tilespmem:s15+$0xFFFFFFF0] =	vst v3  }
.Ltmp3:
0x2c: {  	v4 =	vld.idx.msk [tilespmem:v0+s14+$0xFFFFFFE0 ss:$0x1], $0xffff;
	[tilespmem:s15+$0x0] =	vst v1;
	(pc) =	sbr.rel @p1 .LBB1_4-.Ltmp3, $4  }
0x2d: {  	v3 =	vld.idx.msk [tilespmem:v0+s14+$0xFFFFFFF0 ss:$0x1], $0xffff;
	[tilespmem:s15+$0x10] =	vst v2  }
0x2e: {  	v1 =	vld.idx.msk [tilespmem:v0+s14+$0x0 ss:$0x1], $0xffff;
	[tilespmem:s15+$0x20] =	vst v6;
	s15 =	sadd.s32 $0x800, s15  }
0x2f: {  	v2 =	vld.idx.msk [tilespmem:v0+s14+$0x10 ss:$0x1], $0xffff;
	[tilespmem:s15+$0x30] =	vst v7  }
0x30: {  	[tilespmem:s15+$0xFFFFFFC0] =	vst v8;
	v6 =	vld.idx.msk [tilespmem:v0+s14+$0x20 ss:$0x1], $0xffff;
	s14 =	sshra.s32 s16, $0x2;
	s16 =	sadd.s32 $0x200, s16  }
0x31: {  	_ =	sdelay $0x2  }
0x32: {  	[tilespmem:s15+$0xFFFFFFD0] =	vst v5  }
0x33: {  	v56 =	vld.idx.msk [tilespmem:v0+s14+$0x30 ss:$0x1], $0xffff;
	[tilespmem:s15+$0xFFFFFFE0] =	vst v4  }
0x34: {  	v57 =	vld.idx.msk [tilespmem:v0+s14+$0xFFFFFFC0 ss:$0x1], $0xffff;
	[tilespmem:s15+$0xFFFFFFF0] =	vst v3  }
0x35: {  	v58 =	vld.idx.msk [tilespmem:v0+s14+$0xFFFFFFD0 ss:$0x1], $0xffff;
	[tilespmem:s15+$0x0] =	vst v1  }
0x36: {  	v59 =	vld.idx.msk [tilespmem:v0+s14+$0xFFFFFFE0 ss:$0x1], $0xffff;
	[tilespmem:s15+$0x10] =	vst v2  }
0x37: {  	v60 =	vld.idx.msk [tilespmem:v0+s14+$0xFFFFFFF0 ss:$0x1], $0xffff;
	s31 =	sadd.s32 $0x800, s15;
	[tilespmem:s15+$0x20] =	vst v6  }
0x38: {  	v61 =	vld.idx.msk [tilespmem:v0+s14+$0x0 ss:$0x1], $0xffff;
	[tilespmem:s31+$0x30] =	vst v56  }
0x39: {  	v62 =	vld.idx.msk [tilespmem:v0+s14+$0x10 ss:$0x1], $0xffff;
	s13 =	sadd.s32 $0x1, s13;
	[tilespmem:s31+$0xFFFFFFC0] =	vst v57  }
0x3a: {  	v63 =	vld.idx.msk [tilespmem:v0+s14+$0x20 ss:$0x1], $0xffff;
	p1 =	sne.s32 s13, $0x10;
	[tilespmem:s31+$0xFFFFFFD0] =	vst v58  }
.Ltmp4:
0x3b: {  	[tilespmem:s31+$0xFFFFFFE0] =	vst v59;
	(pc) =	sbr.rel @p1 .LBB1_3-.Ltmp4, $4  }
0x3c: {  	[tilespmem:s31+$0xFFFFFFF0] =	vst v60  }
0x3d: {  	[tilespmem:s31+$0x0] =	vst v61  }
0x3e: {  	[tilespmem:s31+$0x10] =	vst v62  }
0x3f: {  	s10 =	sadd.s32 $0x80, s10;
	s11 =	sadd.s32 $0x400, s11;
	[tilespmem:s31+$0x20] =	vst v63  }
.Ltmp5:
0x40: {  	(pc) =	sbr.rel .LBB1_7-.Ltmp5, $4  }
0x41: {  	_ = 	snop  }
0x42: {  	s9 =	sshll.u32 s9, $0xB  }
0x43: {  	s9 =	sadd.s32 s3, s9  }
0x44: {  	[hbm4b:s9+s6] =	stream.linear.scatter [tilespmem:s12], [sflag:$0x2], $0x4000, $0x38;
	[tilespmem:$0x10000] =	vst v63  }
.LBB1_8:
0x45: {  	_ =	sfence.sel $0x180000  }
0x46: {  	s2 =	simm.s32 $0x1;
	[bflag:$0x0] =	sbarrier.arrive $0xFFFF  }
0x47: {  	s31 =	simm.s32 $0x2;
	[sflag:s2] =	ssyncpa.u1 $0x1  }
0x48: {  	[sflag:s31] =	ssyncpa.u1 $0x1  }
0x49: {  	p0 =	sne.s32 s1, $0x0;
	_ =	strace $0x90000047  }
0x4a: {  	s0 =	sadd.s32 @!p0 $0x100000, s0;
	[bflag:$0x2] =	sbarrier.arrive $0xFFFF  }
0x4b: {  	[sflag:s0] =	ssyncadd.tile.s32 @!p0 $0x1;
	_ =	shalt  }
.Lfunc_end1:
_tile_overlayer_lowered:
.L_overlay_start_2:
0x4c: {  	(tag) =	ssettag $0x2  }
0x4d: {  	s0 =	rddreg [dreg:$0x0];
	s2 =	stileid.u32  }
0x4e: {  	s1 =	rddreg [dreg:$0x1];
	p0 =	sne.s32 s2, $0x0  }
0x4f: {  	s3 =	rddreg [dreg:$0x2];
	[bflag:$0x3] =	sbarrier.arrive $0xFFFF;
	s2 =	simm.s32 @!p0 $0x1C01  }
0x50: {  	[timem:s3], [sflag:s2] =	dma.local @!p0 [hbm:s0], s1  }
0x51: {  	s0 =	simm.s32 @!p0 $0x1  }
0x52: {  	_ =	swait.ge @!p0 [sflag:s0], s1  }
0x53: {  	s1 =	ssub.s32 @!p0 $0x0, s1;
	[sflag:s0] =	ssyncset.done @!p0 $0x0  }
0x54: {  	[sflag:s0] =	ssyncadd.s32 @!p0 s1  }
0x55: {  	[bflag:$0x3] =	sbarrier.arrive $0xFFFF  }
0x56: {  	_ =	shalt  }

</sc_bundles>
